<compile_context>
chip_gen: v7x
topology: tpu7x:2x2x1
jax: 0.10.2.dev20260603
libtpu: 0.0.44.dev20260713+nightly
codegen_flags: <defaults>
</compile_context>

<pallas_src>
import dataclasses
import functools

import jax
import jax.numpy as jnp
from jax.experimental import pallas as pl
from jax.experimental.pallas import tpu as pltpu
from jax.experimental.pallas import tpu_sc as plsc

TH = 64
PCAP = 136
NGRP = 8
SCL = 16


def _sc_cmask_kernel(boxes_t_hbm, cm_hbm, w0_vmem, w1_vmem, col_vmem,
                     *, B, W):
    c = jax.lax.axis_index("core")
    s = jax.lax.axis_index("subcore")
    tid = c * 16 + s

    @pl.when(tid < B * NGRP)
    def _():
        b = tid // NGRP
        j = tid % NGRP
        pltpu.sync_copy(boxes_t_hbm.at[b, 0, pl.ds(j * SCL, SCL)], w0_vmem)
        pltpu.sync_copy(boxes_t_hbm.at[b, 2, pl.ds(j * SCL, SCL)], w1_vmem)
        lane = jax.lax.broadcasted_iota(jnp.int32, (SCL,), 0)
        w0v = w0_vmem[...]
        w1v = w1_vmem[...]
        zero = jnp.zeros((SCL,), jnp.int32)
        w0s = [jnp.sum(jnp.where(lane == i, w0v, zero)) for i in range(SCL)]
        w1s = [jnp.sum(jnp.where(lane == i, w1v, zero)) for i in range(SCL)]

        @pl.loop(0, W, step=SCL)
        def _(c0):
            ww = lane + c0
            acc = zero
            for i in range(SCL):
                acc = acc | jnp.where((ww >= w0s[i]) & (ww < w1s[i]),
                                      jnp.int32(1 << i), jnp.int32(0))
            col_vmem[pl.ds(c0, SCL)] = acc

        pltpu.sync_copy(col_vmem, cm_hbm.at[b, j, :])


def _cmask_sc(boxes_t, B, W):
    cp = pltpu.CompilerParams()
    if "needs_layout_passes" in pltpu.CompilerParams.__dataclass_fields__:
        cp = dataclasses.replace(cp, needs_layout_passes=False)
    kern = pl.kernel(
        functools.partial(_sc_cmask_kernel, B=B, W=W),
        out_type=jax.ShapeDtypeStruct((B, NGRP, W), jnp.int32),
        mesh=plsc.VectorSubcoreMesh(core_axis_name="core",
                                    subcore_axis_name="subcore"),
        scratch_types=[pltpu.VMEM((SCL,), jnp.int32),
                       pltpu.VMEM((SCL,), jnp.int32),
                       pltpu.VMEM((W,), jnp.int32)],
        compiler_params=cp,
    )
    return kern(boxes_t)


def _mask_kernel(boxes_t_ref, pal_ref, et_ref, rmask_ref, palet_ref,
                 *, n_boxes, H, vocab):
    h0 = boxes_t_ref[0, 1:2, :].astype(jnp.int32)
    h1 = boxes_t_ref[0, 3:4, :].astype(jnp.int32)
    hh = jax.lax.broadcasted_iota(jnp.int32, (H, n_boxes), 0)
    cover_r = ((hh >= h0) & (hh < h1)).astype(jnp.bfloat16)

    gi = jax.lax.broadcasted_iota(jnp.int32, (n_boxes, NGRP), 0)
    gj = jax.lax.broadcasted_iota(jnp.int32, (n_boxes, NGRP), 1)
    mbits = jnp.where(gi // 16 == gj,
                      jnp.left_shift(1, gi % 16), 0).astype(jnp.bfloat16)
    rmask_ref[0] = jnp.dot(cover_r, mbits,
                           preferred_element_type=jnp.float32
                           ).astype(jnp.int32)

    pal_row = pal_ref[0, 0, :]
    iota_v = jax.lax.broadcasted_iota(jnp.int32, (vocab, PCAP), 0)
    ohsel = (iota_v == pal_row[None, :]).astype(jnp.bfloat16)
    palet_ref[0] = jnp.dot(et_ref[...], ohsel,
                           preferred_element_type=jnp.float32
                           ).astype(jnp.bfloat16)


def _embed_kernel(rmask_ref, cmask_ref, palet_ref, out_ref, *, W):
    rb = rmask_ref[0]
    cm = cmask_ref[0]
    palet = palet_ref[0]

    idx = jnp.zeros((TH, W), dtype=jnp.int32)
    for j in range(NGRP):
        v = rb[:, j:j + 1] & cm[j, :][None, :]
        p = 31 - jax.lax.clz(v)
        idx = jnp.where(v != 0, 16 * j + p + 1, idx)
    idx_bf = idx.astype(jnp.bfloat16)

    iota_p = jax.lax.broadcasted_iota(jnp.int32, (PCAP, W), 0).astype(
        jnp.bfloat16)
    one = jnp.bfloat16(1.0)
    zero = jnp.bfloat16(0.0)
    for i in range(TH):
        oh = jnp.where(iota_p == idx_bf[i, :][None, :], one, zero)
        out_ref[0, :, i, :] = jnp.dot(palet, oh,
                                      preferred_element_type=jnp.float32)


@jax.jit
def kernel(img, gt_ctexts, gt_cbboxes, embedding_weight):
    B, _, H, W = img.shape
    vocab, D = embedding_weight.shape
    L, Lb = gt_ctexts.shape[1], gt_cbboxes.shape[1]
    T, Tb = gt_ctexts.shape[2], gt_cbboxes.shape[2]
    n_lines, n_tok = min(L, Lb), min(T, Tb)
    N = n_lines * n_tok
    n_bands = H // TH

    toks = gt_ctexts[:, :n_lines, :n_tok].reshape(B, N)
    boxes = jnp.rint(gt_cbboxes[:, :n_lines, :n_tok, :]).astype(
        jnp.int32).reshape(B, N, 4)
    boxes_t = jnp.transpose(boxes, (0, 2, 1))
    pal = jnp.concatenate(
        [jnp.zeros((B, 1), jnp.int32), toks,
         jnp.zeros((B, PCAP - 1 - N), jnp.int32)], axis=1).reshape(B, 1, PCAP)
    et = embedding_weight.T.astype(jnp.bfloat16)

    cmask = _cmask_sc(boxes_t, B, W)
    return cmask

    rmask, palet = pl.pallas_call(
        functools.partial(_mask_kernel, n_boxes=N, H=H, vocab=vocab),
        grid=(B,),
        in_specs=[
            pl.BlockSpec((1, 4, N), lambda b: (b, 0, 0)),
            pl.BlockSpec((1, 1, PCAP), lambda b: (b, 0, 0)),
            pl.BlockSpec((D, vocab), lambda b: (0, 0)),
        ],
        out_specs=[
            pl.BlockSpec((1, H, NGRP), lambda b: (b, 0, 0)),
            pl.BlockSpec((1, D, PCAP), lambda b: (b, 0, 0)),
        ],
        out_shape=[
            jax.ShapeDtypeStruct((B, H, NGRP), jnp.int32),
            jax.ShapeDtypeStruct((B, D, PCAP), jnp.bfloat16),
        ],
    )(boxes_t, pal, et)

    out = pl.pallas_call(
        functools.partial(_embed_kernel, W=W),
        grid=(B, n_bands),
        in_specs=[
            pl.BlockSpec((1, TH, NGRP), lambda b, h: (b, h, 0)),
            pl.BlockSpec((1, NGRP, W), lambda b, h: (b, 0, 0)),
            pl.BlockSpec((1, D, PCAP), lambda b, h: (b, 0, 0)),
        ],
        out_specs=pl.BlockSpec((1, D, TH, W), lambda b, h: (b, 0, h, 0)),
        out_shape=jax.ShapeDtypeStruct((B, D, H, W), jnp.float32),
    )(rmask, cmask, palet)
    return out

# --- scband reference (transcript-rebuilt; emitter-appended) ---
"""Pipeline reference for scband-chargrid-embedding-26714696581699 (READ-ONLY COPY).

The authoritative reference and input builder live on the scoring server;
editing this copy changes nothing except your own understanding.
"""

import jax, jax.numpy as jnp
import numpy as np


def setup_inputs(seed: int = 0) -> dict:
    key = jax.random.key(seed)
    B, C, H, W = 2, 3, 512, 512
    L, T = 16, 8
    vocab, D = 512, 64
    k1, k2, k3, k4, k5, k6, k7 = jax.random.split(key, 7)
    img = jax.random.normal(k1, (B, C, H, W), dtype=jnp.float32)
    # token ids per (line, token); 0 is background so sample in [1, vocab)
    gt_ctexts = jax.random.randint(k2, (B, L, T), 1, vocab, dtype=jnp.int32)
    # valid boxes: (w_start, h_start, w_end, h_end) with end > start, inside canvas
    ws = jax.random.randint(k3, (B, L, T), 0, W - 40)
    hs = jax.random.randint(k4, (B, L, T), 0, H - 40)
    bw = jax.random.randint(k5, (B, L, T), 4, 40)
    bh = jax.random.randint(k6, (B, L, T), 4, 40)
    gt_cbboxes = jnp.stack([ws, hs, ws + bw, hs + bh], axis=-1).astype(jnp.float32)
    embedding_weight = jax.random.normal(k7, (vocab, D), dtype=jnp.float32)
    return {"img": img, "gt_ctexts": gt_ctexts, "gt_cbboxes": gt_cbboxes,
            "embedding_weight": embedding_weight}


def reference(img, gt_ctexts, gt_cbboxes, embedding_weight):
    B, _, H, W = img.shape
    # Build chargrid map by overwriting box regions with token ids (scatter-overwrite),
    # matching the torch in-place slice assignment semantics (later boxes win).
    ct = gt_ctexts
    cb = jnp.rint(gt_cbboxes).astype(jnp.int32)
    n_lines = min(ct.shape[1], cb.shape[1])
    n_tok = min(ct.shape[2], cb.shape[2])
    toks = ct[:, :n_lines, :n_tok].reshape(B, n_lines * n_tok)
    boxes = cb[:, :n_lines, :n_tok, :].reshape(B, n_lines * n_tok, 4)
    hh = jnp.arange(H, dtype=jnp.int32)[:, None]
    ww = jnp.arange(W, dtype=jnp.int32)[None, :]

    def paint(grid, box_tok):
        box, tok = box_tok
        w0, h0, w1, h1 = box[0], box[1], box[2], box[3]
        mask = (hh >= h0) & (hh < h1) & (ww >= w0) & (ww < w1)
        return jnp.where(mask, tok, grid), None

    def per_batch(toks_b, boxes_b):
        init = jnp.zeros((H, W), dtype=jnp.int32)
        grid, _ = jax.lax.scan(paint, init, (boxes_b, toks_b))
        return grid

    chargrid = jax.vmap(per_batch)(toks, boxes)       # [B,H,W]
    cg = chargrid[:, None, :, :]                      # [B,1,H,W]
    emb = jnp.take(embedding_weight, cg, axis=0)      # [B,1,H,W,D] gather
    emb = jnp.squeeze(emb, axis=1)                    # [B,H,W,D]
    out = jnp.transpose(emb, (0, 3, 1, 2))            # [B,D,H,W]
    return out

if __name__ == "__main__":
    import jax
    _d = setup_inputs()
    print(jax.jit(kernel)(*tuple(_d.values())))

</pallas_src>

<mosaic_0001>
#map = affine_map<(d0, d1) -> (0, 0, 0)>
module attributes {stable_mosaic.version = 14 : i64} {
  func.func @_sc_cmask_kernel(%arg0: i32, %arg1: i32, %arg2: memref<2x4x128xi32, #tpu.memory_space<hbm>>, %arg3: memref<2x8x512xi32, #tpu.memory_space<hbm>>, %arg4: memref<16xi32, #tpu.memory_space<vmem>>, %arg5: memref<16xi32, #tpu.memory_space<vmem>>, %arg6: memref<512xi32, #tpu.memory_space<vmem>>) attributes {dimension_semantics = [#tpu.dimension_semantics<core_parallel>, #tpu.dimension_semantics<subcore_parallel>], iteration_bounds = array<i64: 2, 16>, scalar_prefetch = 0 : i64, scratch_operands = 3 : i64, tpu.core_type = #tpu.core_type<sc_vector_subcore>, window_params = [{transform_indices = #map}, {transform_indices = #map}]} {
    %mul3A = arith.constant 16 : i32
    %mul3A_0 = arith.muli %arg0, %mul3A : i32
    %add3A = arith.addi %mul3A_0, %arg1 : i32
    %lt3A = arith.constant 16 : i32
    %lt3A_1 = arith.cmpi slt, %add3A, %lt3A : i32
    %convert_element_type3A = arith.extui %lt3A_1 : i1 to i32
    %cond3A = arith.constant 0 : i32
    %cond3A_2 = arith.cmpi ne, %convert_element_type3A, %cond3A : i32
    scf.if %cond3A_2 {
      %jit3A = arith.constant 8 : i32
      %div3A = arith.divsi %add3A, %jit3A : i32
      %sign3A = arith.constant 0 : i32
      %sign3A_3 = arith.cmpi sgt, %add3A, %sign3A : i32
      %sign3A_4 = arith.extui %sign3A_3 : i1 to i32
      %sign3A_5 = arith.constant 0 : i32
      %sign3A_6 = arith.cmpi slt, %add3A, %sign3A_5 : i32
      %sign3A_7 = arith.extui %sign3A_6 : i1 to i32
      %sign3A_8 = arith.subi %sign3A_4, %sign3A_7 : i32
      %sign3A_9 = arith.constant 0 : i32
      %sign3A_10 = arith.cmpi sgt, %jit3A, %sign3A_9 : i32
      %sign3A_11 = arith.extui %sign3A_10 : i1 to i32
      %sign3A_12 = arith.constant 0 : i32
      %sign3A_13 = arith.cmpi slt, %jit3A, %sign3A_12 : i32
      %sign3A_14 = arith.extui %sign3A_13 : i1 to i32
      %sign3A_15 = arith.subi %sign3A_11, %sign3A_14 : i32
      %ne3A = arith.cmpi ne, %sign3A_8, %sign3A_15 : i32
      %rem3A = arith.remsi %add3A, %jit3A : i32
      %ne3A_16 = arith.constant 0 : i32
      %ne3A_17 = arith.cmpi ne, %rem3A, %ne3A_16 : i32
      %and3A = arith.andi %ne3A, %ne3A_17 : i1
      %sub3A = arith.constant 1 : i32
      %sub3A_18 = arith.subi %div3A, %sub3A : i32
      %select_n3A = arith.select %and3A, %sub3A_18, %div3A : i32
      %jit3A_19 = arith.constant 8 : i32
      %eq3A = arith.constant 0 : i32
      %eq3A_20 = arith.cmpi eq, %jit3A_19, %eq3A : i32
      %jit3A_21 = arith.constant 1 : i32
      %select_n3A_22 = arith.select %eq3A_20, %jit3A_21, %jit3A_19 : i32
      %rem3A_23 = arith.remsi %add3A, %select_n3A_22 : i32
      %ne3A_24 = arith.constant 0 : i32
      %ne3A_25 = arith.cmpi ne, %rem3A_23, %ne3A_24 : i32
      %lt3A_26 = arith.constant 0 : i32
      %lt3A_27 = arith.cmpi slt, %rem3A_23, %lt3A_26 : i32
      %lt3A_28 = arith.constant 0 : i32
      %lt3A_29 = arith.cmpi slt, %select_n3A_22, %lt3A_28 : i32
      %ne3A_30 = arith.xori %lt3A_27, %lt3A_29 : i1
      %and3A_31 = arith.andi %ne3A_30, %ne3A_25 : i1
      %add3A_32 = arith.addi %rem3A_23, %select_n3A_22 : i32
      %select_n3A_33 = arith.select %and3A_31, %add3A_32, %rem3A_23 : i32
      %mul3A_34 = arith.constant 16 : i32
      %mul3A_35 = arith.muli %select_n3A_33, %mul3A_34 : i32
      %run_scoped3A = arith.constant 0 : i32
      "tpu.region"() ({
        %run_scoped3A_302 = tpu.sem_alloc : memref<!tpu.dma_semaphore, #tpu.memory_space<semaphore_mem>>
        %dma_start3A = tpu.memref_slice %arg2[%select_n3A, %run_scoped3A, %mul3A_35] : memref<2x4x128xi32, #tpu.memory_space<hbm>> -> memref<1x1x16xi32, #tpu.memory_space<hbm>>
        %dma_start3A_303 = tpu.memref_squeeze %dma_start3A : memref<1x1x16xi32, #tpu.memory_space<hbm>> -> memref<16xi32, #tpu.memory_space<hbm>>
        %dma_start3A_304 = tpu.memref_slice %arg2[%select_n3A, %run_scoped3A, %mul3A_35] : memref<2x4x128xi32, #tpu.memory_space<hbm>> -> memref<1x1x16xi32, #tpu.memory_space<hbm>>
        %dma_start3A_305 = tpu.memref_squeeze %dma_start3A_304 : memref<1x1x16xi32, #tpu.memory_space<hbm>> -> memref<16xi32, #tpu.memory_space<hbm>>
        tpu.enqueue_dma source(%dma_start3A_305 : memref<16xi32, #tpu.memory_space<hbm>>) target(%arg4 : memref<16xi32, #tpu.memory_space<vmem>>) target_semaphore(%run_scoped3A_302 : memref<!tpu.dma_semaphore, #tpu.memory_space<semaphore_mem>>)
        %dma_wait3A = tpu.memref_slice %arg2[%select_n3A, %run_scoped3A, %mul3A_35] : memref<2x4x128xi32, #tpu.memory_space<hbm>> -> memref<1x1x16xi32, #tpu.memory_space<hbm>>
        %dma_wait3A_306 = tpu.memref_squeeze %dma_wait3A : memref<1x1x16xi32, #tpu.memory_space<hbm>> -> memref<16xi32, #tpu.memory_space<hbm>>
        %dma_wait3A_307 = tpu.memref_slice %arg2[%select_n3A, %run_scoped3A, %mul3A_35] : memref<2x4x128xi32, #tpu.memory_space<hbm>> -> memref<1x1x16xi32, #tpu.memory_space<hbm>>
        %dma_wait3A_308 = tpu.memref_squeeze %dma_wait3A_307 : memref<1x1x16xi32, #tpu.memory_space<hbm>> -> memref<16xi32, #tpu.memory_space<hbm>>
        tpu.wait_dma2 semaphore(%run_scoped3A_302 : memref<!tpu.dma_semaphore, #tpu.memory_space<semaphore_mem>>) src(%dma_wait3A_308 : memref<16xi32, #tpu.memory_space<hbm>>) dst(%arg4 : memref<16xi32, #tpu.memory_space<vmem>>)
        tpu.yield
      }) : () -> ()
      %mul3A_36 = arith.constant 16 : i32
      %mul3A_37 = arith.muli %select_n3A_33, %mul3A_36 : i32
      %run_scoped3A_38 = arith.constant 2 : i32
      "tpu.region"() ({
        %run_scoped3A_302 = tpu.sem_alloc : memref<!tpu.dma_semaphore, #tpu.memory_space<semaphore_mem>>
        %dma_start3A = tpu.memref_slice %arg2[%select_n3A, %run_scoped3A_38, %mul3A_37] : memref<2x4x128xi32, #tpu.memory_space<hbm>> -> memref<1x1x16xi32, #tpu.memory_space<hbm>>
        %dma_start3A_303 = tpu.memref_squeeze %dma_start3A : memref<1x1x16xi32, #tpu.memory_space<hbm>> -> memref<16xi32, #tpu.memory_space<hbm>>
        %dma_start3A_304 = tpu.memref_slice %arg2[%select_n3A, %run_scoped3A_38, %mul3A_37] : memref<2x4x128xi32, #tpu.memory_space<hbm>> -> memref<1x1x16xi32, #tpu.memory_space<hbm>>
        %dma_start3A_305 = tpu.memref_squeeze %dma_start3A_304 : memref<1x1x16xi32, #tpu.memory_space<hbm>> -> memref<16xi32, #tpu.memory_space<hbm>>
        tpu.enqueue_dma source(%dma_start3A_305 : memref<16xi32, #tpu.memory_space<hbm>>) target(%arg5 : memref<16xi32, #tpu.memory_space<vmem>>) target_semaphore(%run_scoped3A_302 : memref<!tpu.dma_semaphore, #tpu.memory_space<semaphore_mem>>)
        %dma_wait3A = tpu.memref_slice %arg2[%select_n3A, %run_scoped3A_38, %mul3A_37] : memref<2x4x128xi32, #tpu.memory_space<hbm>> -> memref<1x1x16xi32, #tpu.memory_space<hbm>>
        %dma_wait3A_306 = tpu.memref_squeeze %dma_wait3A : memref<1x1x16xi32, #tpu.memory_space<hbm>> -> memref<16xi32, #tpu.memory_space<hbm>>
        %dma_wait3A_307 = tpu.memref_slice %arg2[%select_n3A, %run_scoped3A_38, %mul3A_37] : memref<2x4x128xi32, #tpu.memory_space<hbm>> -> memref<1x1x16xi32, #tpu.memory_space<hbm>>
        %dma_wait3A_308 = tpu.memref_squeeze %dma_wait3A_307 : memref<1x1x16xi32, #tpu.memory_space<hbm>> -> memref<16xi32, #tpu.memory_space<hbm>>
        tpu.wait_dma2 semaphore(%run_scoped3A_302 : memref<!tpu.dma_semaphore, #tpu.memory_space<semaphore_mem>>) src(%dma_wait3A_308 : memref<16xi32, #tpu.memory_space<hbm>>) dst(%arg5 : memref<16xi32, #tpu.memory_space<vmem>>)
        tpu.yield
      }) : () -> ()
      %iota3A = tpu.iota {dimensions = array<i32: 0>} : vector<16xi32>
      %get3A = arith.constant 0 : index
      %get3A_39 = tpu.vector_load %arg4[%get3A] {strides = array<i32>} : memref<16xi32, #tpu.memory_space<vmem>>, vector<16xi32>,
      %get3A_40 = arith.constant 0 : index
      %get3A_41 = tpu.vector_load %arg5[%get3A_40] {strides = array<i32>} : memref<16xi32, #tpu.memory_space<vmem>>, vector<16xi32>,
      %broadcast_in_dim3A = arith.constant 0 : i32
      %broadcast_in_dim3A_42 = vector.broadcast %broadcast_in_dim3A : i32 to vector<16xi32>
      %eq3A_43 = arith.constant 0 : i32
      %eq3A_44 = vector.broadcast %eq3A_43 : i32 to vector<16xi32>
      %eq3A_45 = arith.cmpi eq, %iota3A, %eq3A_44 : vector<16xi32>
      %select_n3A_46 = arith.select %eq3A_45, %get3A_39, %broadcast_in_dim3A_42 : vector<16xi1>, vector<16xi32>
      %reduce_sum3A = arith.constant true
      %reduce_sum3A_47 = vector.broadcast %reduce_sum3A : i1 to vector<16xi1>
      %reduce_sum3A_48 = tpu.scan <sum>, %select_n3A_46 masked %reduce_sum3A_47 : vector<16xi32>, vector<16xi1> -> vector<16xi32>
      %reduce_sum3A_49 = vector.extract %reduce_sum3A_48[15] : i32 from vector<16xi32>
      %eq3A_50 = arith.constant 1 : i32
      %eq3A_51 = vector.broadcast %eq3A_50 : i32 to vector<16xi32>
      %eq3A_52 = arith.cmpi eq, %iota3A, %eq3A_51 : vector<16xi32>
      %select_n3A_53 = arith.select %eq3A_52, %get3A_39, %broadcast_in_dim3A_42 : vector<16xi1>, vector<16xi32>
      %reduce_sum3A_54 = arith.constant true
      %reduce_sum3A_55 = vector.broadcast %reduce_sum3A_54 : i1 to vector<16xi1>
      %reduce_sum3A_56 = tpu.scan <sum>, %select_n3A_53 masked %reduce_sum3A_55 : vector<16xi32>, vector<16xi1> -> vector<16xi32>
      %reduce_sum3A_57 = vector.extract %reduce_sum3A_56[15] : i32 from vector<16xi32>
      %eq3A_58 = arith.constant 2 : i32
      %eq3A_59 = vector.broadcast %eq3A_58 : i32 to vector<16xi32>
      %eq3A_60 = arith.cmpi eq, %iota3A, %eq3A_59 : vector<16xi32>
      %select_n3A_61 = arith.select %eq3A_60, %get3A_39, %broadcast_in_dim3A_42 : vector<16xi1>, vector<16xi32>
      %reduce_sum3A_62 = arith.constant true
      %reduce_sum3A_63 = vector.broadcast %reduce_sum3A_62 : i1 to vector<16xi1>
      %reduce_sum3A_64 = tpu.scan <sum>, %select_n3A_61 masked %reduce_sum3A_63 : vector<16xi32>, vector<16xi1> -> vector<16xi32>
      %reduce_sum3A_65 = vector.extract %reduce_sum3A_64[15] : i32 from vector<16xi32>
      %eq3A_66 = arith.constant 3 : i32
      %eq3A_67 = vector.broadcast %eq3A_66 : i32 to vector<16xi32>
      %eq3A_68 = arith.cmpi eq, %iota3A, %eq3A_67 : vector<16xi32>
      %select_n3A_69 = arith.select %eq3A_68, %get3A_39, %broadcast_in_dim3A_42 : vector<16xi1>, vector<16xi32>
      %reduce_sum3A_70 = arith.constant true
      %reduce_sum3A_71 = vector.broadcast %reduce_sum3A_70 : i1 to vector<16xi1>
      %reduce_sum3A_72 = tpu.scan <sum>, %select_n3A_69 masked %reduce_sum3A_71 : vector<16xi32>, vector<16xi1> -> vector<16xi32>
      %reduce_sum3A_73 = vector.extract %reduce_sum3A_72[15] : i32 from vector<16xi32>
      %eq3A_74 = arith.constant 4 : i32
      %eq3A_75 = vector.broadcast %eq3A_74 : i32 to vector<16xi32>
      %eq3A_76 = arith.cmpi eq, %iota3A, %eq3A_75 : vector<16xi32>
      %select_n3A_77 = arith.select %eq3A_76, %get3A_39, %broadcast_in_dim3A_42 : vector<16xi1>, vector<16xi32>
      %reduce_sum3A_78 = arith.constant true
      %reduce_sum3A_79 = vector.broadcast %reduce_sum3A_78 : i1 to vector<16xi1>
      %reduce_sum3A_80 = tpu.scan <sum>, %select_n3A_77 masked %reduce_sum3A_79 : vector<16xi32>, vector<16xi1> -> vector<16xi32>
      %reduce_sum3A_81 = vector.extract %reduce_sum3A_80[15] : i32 from vector<16xi32>
      %eq3A_82 = arith.constant 5 : i32
      %eq3A_83 = vector.broadcast %eq3A_82 : i32 to vector<16xi32>
      %eq3A_84 = arith.cmpi eq, %iota3A, %eq3A_83 : vector<16xi32>
      %select_n3A_85 = arith.select %eq3A_84, %get3A_39, %broadcast_in_dim3A_42 : vector<16xi1>, vector<16xi32>
      %reduce_sum3A_86 = arith.constant true
      %reduce_sum3A_87 = vector.broadcast %reduce_sum3A_86 : i1 to vector<16xi1>
      %reduce_sum3A_88 = tpu.scan <sum>, %select_n3A_85 masked %reduce_sum3A_87 : vector<16xi32>, vector<16xi1> -> vector<16xi32>
      %reduce_sum3A_89 = vector.extract %reduce_sum3A_88[15] : i32 from vector<16xi32>
      %eq3A_90 = arith.constant 6 : i32
      %eq3A_91 = vector.broadcast %eq3A_90 : i32 to vector<16xi32>
      %eq3A_92 = arith.cmpi eq, %iota3A, %eq3A_91 : vector<16xi32>
      %select_n3A_93 = arith.select %eq3A_92, %get3A_39, %broadcast_in_dim3A_42 : vector<16xi1>, vector<16xi32>
      %reduce_sum3A_94 = arith.constant true
      %reduce_sum3A_95 = vector.broadcast %reduce_sum3A_94 : i1 to vector<16xi1>
      %reduce_sum3A_96 = tpu.scan <sum>, %select_n3A_93 masked %reduce_sum3A_95 : vector<16xi32>, vector<16xi1> -> vector<16xi32>
      %reduce_sum3A_97 = vector.extract %reduce_sum3A_96[15] : i32 from vector<16xi32>
      %eq3A_98 = arith.constant 7 : i32
      %eq3A_99 = vector.broadcast %eq3A_98 : i32 to vector<16xi32>
      %eq3A_100 = arith.cmpi eq, %iota3A, %eq3A_99 : vector<16xi32>
      %select_n3A_101 = arith.select %eq3A_100, %get3A_39, %broadcast_in_dim3A_42 : vector<16xi1>, vector<16xi32>
      %reduce_sum3A_102 = arith.constant true
      %reduce_sum3A_103 = vector.broadcast %reduce_sum3A_102 : i1 to vector<16xi1>
      %reduce_sum3A_104 = tpu.scan <sum>, %select_n3A_101 masked %reduce_sum3A_103 : vector<16xi32>, vector<16xi1> -> vector<16xi32>
      %reduce_sum3A_105 = vector.extract %reduce_sum3A_104[15] : i32 from vector<16xi32>
      %eq3A_106 = arith.constant 8 : i32
      %eq3A_107 = vector.broadcast %eq3A_106 : i32 to vector<16xi32>
      %eq3A_108 = arith.cmpi eq, %iota3A, %eq3A_107 : vector<16xi32>
      %select_n3A_109 = arith.select %eq3A_108, %get3A_39, %broadcast_in_dim3A_42 : vector<16xi1>, vector<16xi32>
      %reduce_sum3A_110 = arith.constant true
      %reduce_sum3A_111 = vector.broadcast %reduce_sum3A_110 : i1 to vector<16xi1>
      %reduce_sum3A_112 = tpu.scan <sum>, %select_n3A_109 masked %reduce_sum3A_111 : vector<16xi32>, vector<16xi1> -> vector<16xi32>
      %reduce_sum3A_113 = vector.extract %reduce_sum3A_112[15] : i32 from vector<16xi32>
      %eq3A_114 = arith.constant 9 : i32
      %eq3A_115 = vector.broadcast %eq3A_114 : i32 to vector<16xi32>
      %eq3A_116 = arith.cmpi eq, %iota3A, %eq3A_115 : vector<16xi32>
      %select_n3A_117 = arith.select %eq3A_116, %get3A_39, %broadcast_in_dim3A_42 : vector<16xi1>, vector<16xi32>
      %reduce_sum3A_118 = arith.constant true
      %reduce_sum3A_119 = vector.broadcast %reduce_sum3A_118 : i1 to vector<16xi1>
      %reduce_sum3A_120 = tpu.scan <sum>, %select_n3A_117 masked %reduce_sum3A_119 : vector<16xi32>, vector<16xi1> -> vector<16xi32>
      %reduce_sum3A_121 = vector.extract %reduce_sum3A_120[15] : i32 from vector<16xi32>
      %eq3A_122 = arith.constant 10 : i32
      %eq3A_123 = vector.broadcast %eq3A_122 : i32 to vector<16xi32>
      %eq3A_124 = arith.cmpi eq, %iota3A, %eq3A_123 : vector<16xi32>
      %select_n3A_125 = arith.select %eq3A_124, %get3A_39, %broadcast_in_dim3A_42 : vector<16xi1>, vector<16xi32>
      %reduce_sum3A_126 = arith.constant true
      %reduce_sum3A_127 = vector.broadcast %reduce_sum3A_126 : i1 to vector<16xi1>
      %reduce_sum3A_128 = tpu.scan <sum>, %select_n3A_125 masked %reduce_sum3A_127 : vector<16xi32>, vector<16xi1> -> vector<16xi32>
      %reduce_sum3A_129 = vector.extract %reduce_sum3A_128[15] : i32 from vector<16xi32>
      %eq3A_130 = arith.constant 11 : i32
      %eq3A_131 = vector.broadcast %eq3A_130 : i32 to vector<16xi32>
      %eq3A_132 = arith.cmpi eq, %iota3A, %eq3A_131 : vector<16xi32>
      %select_n3A_133 = arith.select %eq3A_132, %get3A_39, %broadcast_in_dim3A_42 : vector<16xi1>, vector<16xi32>
      %reduce_sum3A_134 = arith.constant true
      %reduce_sum3A_135 = vector.broadcast %reduce_sum3A_134 : i1 to vector<16xi1>
      %reduce_sum3A_136 = tpu.scan <sum>, %select_n3A_133 masked %reduce_sum3A_135 : vector<16xi32>, vector<16xi1> -> vector<16xi32>
      %reduce_sum3A_137 = vector.extract %reduce_sum3A_136[15] : i32 from vector<16xi32>
      %eq3A_138 = arith.constant 12 : i32
      %eq3A_139 = vector.broadcast %eq3A_138 : i32 to vector<16xi32>
      %eq3A_140 = arith.cmpi eq, %iota3A, %eq3A_139 : vector<16xi32>
      %select_n3A_141 = arith.select %eq3A_140, %get3A_39, %broadcast_in_dim3A_42 : vector<16xi1>, vector<16xi32>
      %reduce_sum3A_142 = arith.constant true
      %reduce_sum3A_143 = vector.broadcast %reduce_sum3A_142 : i1 to vector<16xi1>
      %reduce_sum3A_144 = tpu.scan <sum>, %select_n3A_141 masked %reduce_sum3A_143 : vector<16xi32>, vector<16xi1> -> vector<16xi32>
      %reduce_sum3A_145 = vector.extract %reduce_sum3A_144[15] : i32 from vector<16xi32>
      %eq3A_146 = arith.constant 13 : i32
      %eq3A_147 = vector.broadcast %eq3A_146 : i32 to vector<16xi32>
      %eq3A_148 = arith.cmpi eq, %iota3A, %eq3A_147 : vector<16xi32>
      %select_n3A_149 = arith.select %eq3A_148, %get3A_39, %broadcast_in_dim3A_42 : vector<16xi1>, vector<16xi32>
      %reduce_sum3A_150 = arith.constant true
      %reduce_sum3A_151 = vector.broadcast %reduce_sum3A_150 : i1 to vector<16xi1>
      %reduce_sum3A_152 = tpu.scan <sum>, %select_n3A_149 masked %reduce_sum3A_151 : vector<16xi32>, vector<16xi1> -> vector<16xi32>
      %reduce_sum3A_153 = vector.extract %reduce_sum3A_152[15] : i32 from vector<16xi32>
      %eq3A_154 = arith.constant 14 : i32
      %eq3A_155 = vector.broadcast %eq3A_154 : i32 to vector<16xi32>
      %eq3A_156 = arith.cmpi eq, %iota3A, %eq3A_155 : vector<16xi32>
      %select_n3A_157 = arith.select %eq3A_156, %get3A_39, %broadcast_in_dim3A_42 : vector<16xi1>, vector<16xi32>
      %reduce_sum3A_158 = arith.constant true
      %reduce_sum3A_159 = vector.broadcast %reduce_sum3A_158 : i1 to vector<16xi1>
      %reduce_sum3A_160 = tpu.scan <sum>, %select_n3A_157 masked %reduce_sum3A_159 : vector<16xi32>, vector<16xi1> -> vector<16xi32>
      %reduce_sum3A_161 = vector.extract %reduce_sum3A_160[15] : i32 from vector<16xi32>
      %eq3A_162 = arith.constant 15 : i32
      %eq3A_163 = vector.broadcast %eq3A_162 : i32 to vector<16xi32>
      %eq3A_164 = arith.cmpi eq, %iota3A, %eq3A_163 : vector<16xi32>
      %select_n3A_165 = arith.select %eq3A_164, %get3A_39, %broadcast_in_dim3A_42 : vector<16xi1>, vector<16xi32>
      %reduce_sum3A_166 = arith.constant true
      %reduce_sum3A_167 = vector.broadcast %reduce_sum3A_166 : i1 to vector<16xi1>
      %reduce_sum3A_168 = tpu.scan <sum>, %select_n3A_165 masked %reduce_sum3A_167 : vector<16xi32>, vector<16xi1> -> vector<16xi32>
      %reduce_sum3A_169 = vector.extract %reduce_sum3A_168[15] : i32 from vector<16xi32>
      %eq3A_170 = arith.constant 0 : i32
      %eq3A_171 = vector.broadcast %eq3A_170 : i32 to vector<16xi32>
      %eq3A_172 = arith.cmpi eq, %iota3A, %eq3A_171 : vector<16xi32>
      %select_n3A_173 = arith.select %eq3A_172, %get3A_41, %broadcast_in_dim3A_42 : vector<16xi1>, vector<16xi32>
      %reduce_sum3A_174 = arith.constant true
      %reduce_sum3A_175 = vector.broadcast %reduce_sum3A_174 : i1 to vector<16xi1>
      %reduce_sum3A_176 = tpu.scan <sum>, %select_n3A_173 masked %reduce_sum3A_175 : vector<16xi32>, vector<16xi1> -> vector<16xi32>
      %reduce_sum3A_177 = vector.extract %reduce_sum3A_176[15] : i32 from vector<16xi32>
      %eq3A_178 = arith.constant 1 : i32
      %eq3A_179 = vector.broadcast %eq3A_178 : i32 to vector<16xi32>
      %eq3A_180 = arith.cmpi eq, %iota3A, %eq3A_179 : vector<16xi32>
      %select_n3A_181 = arith.select %eq3A_180, %get3A_41, %broadcast_in_dim3A_42 : vector<16xi1>, vector<16xi32>
      %reduce_sum3A_182 = arith.constant true
      %reduce_sum3A_183 = vector.broadcast %reduce_sum3A_182 : i1 to vector<16xi1>
      %reduce_sum3A_184 = tpu.scan <sum>, %select_n3A_181 masked %reduce_sum3A_183 : vector<16xi32>, vector<16xi1> -> vector<16xi32>
      %reduce_sum3A_185 = vector.extract %reduce_sum3A_184[15] : i32 from vector<16xi32>
      %eq3A_186 = arith.constant 2 : i32
      %eq3A_187 = vector.broadcast %eq3A_186 : i32 to vector<16xi32>
      %eq3A_188 = arith.cmpi eq, %iota3A, %eq3A_187 : vector<16xi32>
      %select_n3A_189 = arith.select %eq3A_188, %get3A_41, %broadcast_in_dim3A_42 : vector<16xi1>, vector<16xi32>
      %reduce_sum3A_190 = arith.constant true
      %reduce_sum3A_191 = vector.broadcast %reduce_sum3A_190 : i1 to vector<16xi1>
      %reduce_sum3A_192 = tpu.scan <sum>, %select_n3A_189 masked %reduce_sum3A_191 : vector<16xi32>, vector<16xi1> -> vector<16xi32>
      %reduce_sum3A_193 = vector.extract %reduce_sum3A_192[15] : i32 from vector<16xi32>
      %eq3A_194 = arith.constant 3 : i32
      %eq3A_195 = vector.broadcast %eq3A_194 : i32 to vector<16xi32>
      %eq3A_196 = arith.cmpi eq, %iota3A, %eq3A_195 : vector<16xi32>
      %select_n3A_197 = arith.select %eq3A_196, %get3A_41, %broadcast_in_dim3A_42 : vector<16xi1>, vector<16xi32>
      %reduce_sum3A_198 = arith.constant true
      %reduce_sum3A_199 = vector.broadcast %reduce_sum3A_198 : i1 to vector<16xi1>
      %reduce_sum3A_200 = tpu.scan <sum>, %select_n3A_197 masked %reduce_sum3A_199 : vector<16xi32>, vector<16xi1> -> vector<16xi32>
      %reduce_sum3A_201 = vector.extract %reduce_sum3A_200[15] : i32 from vector<16xi32>
      %eq3A_202 = arith.constant 4 : i32
      %eq3A_203 = vector.broadcast %eq3A_202 : i32 to vector<16xi32>
      %eq3A_204 = arith.cmpi eq, %iota3A, %eq3A_203 : vector<16xi32>
      %select_n3A_205 = arith.select %eq3A_204, %get3A_41, %broadcast_in_dim3A_42 : vector<16xi1>, vector<16xi32>
      %reduce_sum3A_206 = arith.constant true
      %reduce_sum3A_207 = vector.broadcast %reduce_sum3A_206 : i1 to vector<16xi1>
      %reduce_sum3A_208 = tpu.scan <sum>, %select_n3A_205 masked %reduce_sum3A_207 : vector<16xi32>, vector<16xi1> -> vector<16xi32>
      %reduce_sum3A_209 = vector.extract %reduce_sum3A_208[15] : i32 from vector<16xi32>
      %eq3A_210 = arith.constant 5 : i32
      %eq3A_211 = vector.broadcast %eq3A_210 : i32 to vector<16xi32>
      %eq3A_212 = arith.cmpi eq, %iota3A, %eq3A_211 : vector<16xi32>
      %select_n3A_213 = arith.select %eq3A_212, %get3A_41, %broadcast_in_dim3A_42 : vector<16xi1>, vector<16xi32>
      %reduce_sum3A_214 = arith.constant true
      %reduce_sum3A_215 = vector.broadcast %reduce_sum3A_214 : i1 to vector<16xi1>
      %reduce_sum3A_216 = tpu.scan <sum>, %select_n3A_213 masked %reduce_sum3A_215 : vector<16xi32>, vector<16xi1> -> vector<16xi32>
      %reduce_sum3A_217 = vector.extract %reduce_sum3A_216[15] : i32 from vector<16xi32>
      %eq3A_218 = arith.constant 6 : i32
      %eq3A_219 = vector.broadcast %eq3A_218 : i32 to vector<16xi32>
      %eq3A_220 = arith.cmpi eq, %iota3A, %eq3A_219 : vector<16xi32>
      %select_n3A_221 = arith.select %eq3A_220, %get3A_41, %broadcast_in_dim3A_42 : vector<16xi1>, vector<16xi32>
      %reduce_sum3A_222 = arith.constant true
      %reduce_sum3A_223 = vector.broadcast %reduce_sum3A_222 : i1 to vector<16xi1>
      %reduce_sum3A_224 = tpu.scan <sum>, %select_n3A_221 masked %reduce_sum3A_223 : vector<16xi32>, vector<16xi1> -> vector<16xi32>
      %reduce_sum3A_225 = vector.extract %reduce_sum3A_224[15] : i32 from vector<16xi32>
      %eq3A_226 = arith.constant 7 : i32
      %eq3A_227 = vector.broadcast %eq3A_226 : i32 to vector<16xi32>
      %eq3A_228 = arith.cmpi eq, %iota3A, %eq3A_227 : vector<16xi32>
      %select_n3A_229 = arith.select %eq3A_228, %get3A_41, %broadcast_in_dim3A_42 : vector<16xi1>, vector<16xi32>
      %reduce_sum3A_230 = arith.constant true
      %reduce_sum3A_231 = vector.broadcast %reduce_sum3A_230 : i1 to vector<16xi1>
      %reduce_sum3A_232 = tpu.scan <sum>, %select_n3A_229 masked %reduce_sum3A_231 : vector<16xi32>, vector<16xi1> -> vector<16xi32>
      %reduce_sum3A_233 = vector.extract %reduce_sum3A_232[15] : i32 from vector<16xi32>
      %eq3A_234 = arith.constant 8 : i32
      %eq3A_235 = vector.broadcast %eq3A_234 : i32 to vector<16xi32>
      %eq3A_236 = arith.cmpi eq, %iota3A, %eq3A_235 : vector<16xi32>
      %select_n3A_237 = arith.select %eq3A_236, %get3A_41, %broadcast_in_dim3A_42 : vector<16xi1>, vector<16xi32>
      %reduce_sum3A_238 = arith.constant true
      %reduce_sum3A_239 = vector.broadcast %reduce_sum3A_238 : i1 to vector<16xi1>
      %reduce_sum3A_240 = tpu.scan <sum>, %select_n3A_237 masked %reduce_sum3A_239 : vector<16xi32>, vector<16xi1> -> vector<16xi32>
      %reduce_sum3A_241 = vector.extract %reduce_sum3A_240[15] : i32 from vector<16xi32>
      %eq3A_242 = arith.constant 9 : i32
      %eq3A_243 = vector.broadcast %eq3A_242 : i32 to vector<16xi32>
      %eq3A_244 = arith.cmpi eq, %iota3A, %eq3A_243 : vector<16xi32>
      %select_n3A_245 = arith.select %eq3A_244, %get3A_41, %broadcast_in_dim3A_42 : vector<16xi1>, vector<16xi32>
      %reduce_sum3A_246 = arith.constant true
      %reduce_sum3A_247 = vector.broadcast %reduce_sum3A_246 : i1 to vector<16xi1>
      %reduce_sum3A_248 = tpu.scan <sum>, %select_n3A_245 masked %reduce_sum3A_247 : vector<16xi32>, vector<16xi1> -> vector<16xi32>
      %reduce_sum3A_249 = vector.extract %reduce_sum3A_248[15] : i32 from vector<16xi32>
      %eq3A_250 = arith.constant 10 : i32
      %eq3A_251 = vector.broadcast %eq3A_250 : i32 to vector<16xi32>
      %eq3A_252 = arith.cmpi eq, %iota3A, %eq3A_251 : vector<16xi32>
      %select_n3A_253 = arith.select %eq3A_252, %get3A_41, %broadcast_in_dim3A_42 : vector<16xi1>, vector<16xi32>
      %reduce_sum3A_254 = arith.constant true
      %reduce_sum3A_255 = vector.broadcast %reduce_sum3A_254 : i1 to vector<16xi1>
      %reduce_sum3A_256 = tpu.scan <sum>, %select_n3A_253 masked %reduce_sum3A_255 : vector<16xi32>, vector<16xi1> -> vector<16xi32>
      %reduce_sum3A_257 = vector.extract %reduce_sum3A_256[15] : i32 from vector<16xi32>
      %eq3A_258 = arith.constant 11 : i32
      %eq3A_259 = vector.broadcast %eq3A_258 : i32 to vector<16xi32>
      %eq3A_260 = arith.cmpi eq, %iota3A, %eq3A_259 : vector<16xi32>
      %select_n3A_261 = arith.select %eq3A_260, %get3A_41, %broadcast_in_dim3A_42 : vector<16xi1>, vector<16xi32>
      %reduce_sum3A_262 = arith.constant true
      %reduce_sum3A_263 = vector.broadcast %reduce_sum3A_262 : i1 to vector<16xi1>
      %reduce_sum3A_264 = tpu.scan <sum>, %select_n3A_261 masked %reduce_sum3A_263 : vector<16xi32>, vector<16xi1> -> vector<16xi32>
      %reduce_sum3A_265 = vector.extract %reduce_sum3A_264[15] : i32 from vector<16xi32>
      %eq3A_266 = arith.constant 12 : i32
      %eq3A_267 = vector.broadcast %eq3A_266 : i32 to vector<16xi32>
      %eq3A_268 = arith.cmpi eq, %iota3A, %eq3A_267 : vector<16xi32>
      %select_n3A_269 = arith.select %eq3A_268, %get3A_41, %broadcast_in_dim3A_42 : vector<16xi1>, vector<16xi32>
      %reduce_sum3A_270 = arith.constant true
      %reduce_sum3A_271 = vector.broadcast %reduce_sum3A_270 : i1 to vector<16xi1>
      %reduce_sum3A_272 = tpu.scan <sum>, %select_n3A_269 masked %reduce_sum3A_271 : vector<16xi32>, vector<16xi1> -> vector<16xi32>
      %reduce_sum3A_273 = vector.extract %reduce_sum3A_272[15] : i32 from vector<16xi32>
      %eq3A_274 = arith.constant 13 : i32
      %eq3A_275 = vector.broadcast %eq3A_274 : i32 to vector<16xi32>
      %eq3A_276 = arith.cmpi eq, %iota3A, %eq3A_275 : vector<16xi32>
      %select_n3A_277 = arith.select %eq3A_276, %get3A_41, %broadcast_in_dim3A_42 : vector<16xi1>, vector<16xi32>
      %reduce_sum3A_278 = arith.constant true
      %reduce_sum3A_279 = vector.broadcast %reduce_sum3A_278 : i1 to vector<16xi1>
      %reduce_sum3A_280 = tpu.scan <sum>, %select_n3A_277 masked %reduce_sum3A_279 : vector<16xi32>, vector<16xi1> -> vector<16xi32>
      %reduce_sum3A_281 = vector.extract %reduce_sum3A_280[15] : i32 from vector<16xi32>
      %eq3A_282 = arith.constant 14 : i32
      %eq3A_283 = vector.broadcast %eq3A_282 : i32 to vector<16xi32>
      %eq3A_284 = arith.cmpi eq, %iota3A, %eq3A_283 : vector<16xi32>
      %select_n3A_285 = arith.select %eq3A_284, %get3A_41, %broadcast_in_dim3A_42 : vector<16xi1>, vector<16xi32>
      %reduce_sum3A_286 = arith.constant true
      %reduce_sum3A_287 = vector.broadcast %reduce_sum3A_286 : i1 to vector<16xi1>
      %reduce_sum3A_288 = tpu.scan <sum>, %select_n3A_285 masked %reduce_sum3A_287 : vector<16xi32>, vector<16xi1> -> vector<16xi32>
      %reduce_sum3A_289 = vector.extract %reduce_sum3A_288[15] : i32 from vector<16xi32>
      %eq3A_290 = arith.constant 15 : i32
      %eq3A_291 = vector.broadcast %eq3A_290 : i32 to vector<16xi32>
      %eq3A_292 = arith.cmpi eq, %iota3A, %eq3A_291 : vector<16xi32>
      %select_n3A_293 = arith.select %eq3A_292, %get3A_41, %broadcast_in_dim3A_42 : vector<16xi1>, vector<16xi32>
      %reduce_sum3A_294 = arith.constant true
      %reduce_sum3A_295 = vector.broadcast %reduce_sum3A_294 : i1 to vector<16xi1>
      %reduce_sum3A_296 = tpu.scan <sum>, %select_n3A_293 masked %reduce_sum3A_295 : vector<16xi32>, vector<16xi1> -> vector<16xi32>
      %reduce_sum3A_297 = vector.extract %reduce_sum3A_296[15] : i32 from vector<16xi32>
      %scan3A = arith.constant 0 : i32
      %scan3A_298 = arith.constant 32 : i32
      %scan3A_299 = arith.addi %scan3A, %scan3A_298 : i32
      %scan3A_300 = arith.constant 1 : i32
      scf.for %scan3A_302 = %scan3A to %scan3A_299 step %scan3A_300  : i32 {
        %mul3A_303 = arith.constant 16 : i32
        %mul3A_304 = arith.muli %scan3A_302, %mul3A_303 : i32
        %add3A_305 = arith.constant 0 : i32
        %add3A_306 = arith.addi %add3A_305, %mul3A_304 : i32
        %add3A_307 = vector.broadcast %add3A_306 : i32 to vector<16xi32>
        %add3A_308 = arith.addi %iota3A, %add3A_307 : vector<16xi32>
        %ge3A = vector.broadcast %reduce_sum3A_49 : i32 to vector<16xi32>
        %ge3A_309 = arith.cmpi sge, %add3A_308, %ge3A : vector<16xi32>
        %lt3A_310 = vector.broadcast %reduce_sum3A_177 : i32 to vector<16xi32>
        %lt3A_311 = arith.cmpi slt, %add3A_308, %lt3A_310 : vector<16xi32>
        %and3A_312 = arith.andi %ge3A_309, %lt3A_311 : vector<16xi1>
        %jit3A_313 = arith.constant 1 : i32
        %jit3A_314 = arith.constant 0 : i32
        %broadcast_in_dim3A_315 = vector.broadcast %jit3A_313 : i32 to vector<16xi32>
        %broadcast_in_dim3A_316 = vector.broadcast %jit3A_314 : i32 to vector<16xi32>
        %select_n3A_317 = arith.select %and3A_312, %broadcast_in_dim3A_315, %broadcast_in_dim3A_316 : vector<16xi1>, vector<16xi32>
        %or3A = arith.ori %broadcast_in_dim3A_42, %select_n3A_317 : vector<16xi32>
        %ge3A_318 = vector.broadcast %reduce_sum3A_57 : i32 to vector<16xi32>
        %ge3A_319 = arith.cmpi sge, %add3A_308, %ge3A_318 : vector<16xi32>
        %lt3A_320 = vector.broadcast %reduce_sum3A_185 : i32 to vector<16xi32>
        %lt3A_321 = arith.cmpi slt, %add3A_308, %lt3A_320 : vector<16xi32>
        %and3A_322 = arith.andi %ge3A_319, %lt3A_321 : vector<16xi1>
        %jit3A_323 = arith.constant 2 : i32
        %jit3A_324 = arith.constant 0 : i32
        %broadcast_in_dim3A_325 = vector.broadcast %jit3A_323 : i32 to vector<16xi32>
        %broadcast_in_dim3A_326 = vector.broadcast %jit3A_324 : i32 to vector<16xi32>
        %select_n3A_327 = arith.select %and3A_322, %broadcast_in_dim3A_325, %broadcast_in_dim3A_326 : vector<16xi1>, vector<16xi32>
        %or3A_328 = arith.ori %or3A, %select_n3A_327 : vector<16xi32>
        %ge3A_329 = vector.broadcast %reduce_sum3A_65 : i32 to vector<16xi32>
        %ge3A_330 = arith.cmpi sge, %add3A_308, %ge3A_329 : vector<16xi32>
        %lt3A_331 = vector.broadcast %reduce_sum3A_193 : i32 to vector<16xi32>
        %lt3A_332 = arith.cmpi slt, %add3A_308, %lt3A_331 : vector<16xi32>
        %and3A_333 = arith.andi %ge3A_330, %lt3A_332 : vector<16xi1>
        %jit3A_334 = arith.constant 4 : i32
        %jit3A_335 = arith.constant 0 : i32
        %broadcast_in_dim3A_336 = vector.broadcast %jit3A_334 : i32 to vector<16xi32>
        %broadcast_in_dim3A_337 = vector.broadcast %jit3A_335 : i32 to vector<16xi32>
        %select_n3A_338 = arith.select %and3A_333, %broadcast_in_dim3A_336, %broadcast_in_dim3A_337 : vector<16xi1>, vector<16xi32>
        %or3A_339 = arith.ori %or3A_328, %select_n3A_338 : vector<16xi32>
        %ge3A_340 = vector.broadcast %reduce_sum3A_73 : i32 to vector<16xi32>
        %ge3A_341 = arith.cmpi sge, %add3A_308, %ge3A_340 : vector<16xi32>
        %lt3A_342 = vector.broadcast %reduce_sum3A_201 : i32 to vector<16xi32>
        %lt3A_343 = arith.cmpi slt, %add3A_308, %lt3A_342 : vector<16xi32>
        %and3A_344 = arith.andi %ge3A_341, %lt3A_343 : vector<16xi1>
        %jit3A_345 = arith.constant 8 : i32
        %jit3A_346 = arith.constant 0 : i32
        %broadcast_in_dim3A_347 = vector.broadcast %jit3A_345 : i32 to vector<16xi32>
        %broadcast_in_dim3A_348 = vector.broadcast %jit3A_346 : i32 to vector<16xi32>
        %select_n3A_349 = arith.select %and3A_344, %broadcast_in_dim3A_347, %broadcast_in_dim3A_348 : vector<16xi1>, vector<16xi32>
        %or3A_350 = arith.ori %or3A_339, %select_n3A_349 : vector<16xi32>
        %ge3A_351 = vector.broadcast %reduce_sum3A_81 : i32 to vector<16xi32>
        %ge3A_352 = arith.cmpi sge, %add3A_308, %ge3A_351 : vector<16xi32>
        %lt3A_353 = vector.broadcast %reduce_sum3A_209 : i32 to vector<16xi32>
        %lt3A_354 = arith.cmpi slt, %add3A_308, %lt3A_353 : vector<16xi32>
        %and3A_355 = arith.andi %ge3A_352, %lt3A_354 : vector<16xi1>
        %jit3A_356 = arith.constant 16 : i32
        %jit3A_357 = arith.constant 0 : i32
        %broadcast_in_dim3A_358 = vector.broadcast %jit3A_356 : i32 to vector<16xi32>
        %broadcast_in_dim3A_359 = vector.broadcast %jit3A_357 : i32 to vector<16xi32>
        %select_n3A_360 = arith.select %and3A_355, %broadcast_in_dim3A_358, %broadcast_in_dim3A_359 : vector<16xi1>, vector<16xi32>
        %or3A_361 = arith.ori %or3A_350, %select_n3A_360 : vector<16xi32>
        %ge3A_362 = vector.broadcast %reduce_sum3A_89 : i32 to vector<16xi32>
        %ge3A_363 = arith.cmpi sge, %add3A_308, %ge3A_362 : vector<16xi32>
        %lt3A_364 = vector.broadcast %reduce_sum3A_217 : i32 to vector<16xi32>
        %lt3A_365 = arith.cmpi slt, %add3A_308, %lt3A_364 : vector<16xi32>
        %and3A_366 = arith.andi %ge3A_363, %lt3A_365 : vector<16xi1>
        %jit3A_367 = arith.constant 32 : i32
        %jit3A_368 = arith.constant 0 : i32
        %broadcast_in_dim3A_369 = vector.broadcast %jit3A_367 : i32 to vector<16xi32>
        %broadcast_in_dim3A_370 = vector.broadcast %jit3A_368 : i32 to vector<16xi32>
        %select_n3A_371 = arith.select %and3A_366, %broadcast_in_dim3A_369, %broadcast_in_dim3A_370 : vector<16xi1>, vector<16xi32>
        %or3A_372 = arith.ori %or3A_361, %select_n3A_371 : vector<16xi32>
        %ge3A_373 = vector.broadcast %reduce_sum3A_97 : i32 to vector<16xi32>
        %ge3A_374 = arith.cmpi sge, %add3A_308, %ge3A_373 : vector<16xi32>
        %lt3A_375 = vector.broadcast %reduce_sum3A_225 : i32 to vector<16xi32>
        %lt3A_376 = arith.cmpi slt, %add3A_308, %lt3A_375 : vector<16xi32>
        %and3A_377 = arith.andi %ge3A_374, %lt3A_376 : vector<16xi1>
        %jit3A_378 = arith.constant 64 : i32
        %jit3A_379 = arith.constant 0 : i32
        %broadcast_in_dim3A_380 = vector.broadcast %jit3A_378 : i32 to vector<16xi32>
        %broadcast_in_dim3A_381 = vector.broadcast %jit3A_379 : i32 to vector<16xi32>
        %select_n3A_382 = arith.select %and3A_377, %broadcast_in_dim3A_380, %broadcast_in_dim3A_381 : vector<16xi1>, vector<16xi32>
        %or3A_383 = arith.ori %or3A_372, %select_n3A_382 : vector<16xi32>
        %ge3A_384 = vector.broadcast %reduce_sum3A_105 : i32 to vector<16xi32>
        %ge3A_385 = arith.cmpi sge, %add3A_308, %ge3A_384 : vector<16xi32>
        %lt3A_386 = vector.broadcast %reduce_sum3A_233 : i32 to vector<16xi32>
        %lt3A_387 = arith.cmpi slt, %add3A_308, %lt3A_386 : vector<16xi32>
        %and3A_388 = arith.andi %ge3A_385, %lt3A_387 : vector<16xi1>
        %jit3A_389 = arith.constant 128 : i32
        %jit3A_390 = arith.constant 0 : i32
        %broadcast_in_dim3A_391 = vector.broadcast %jit3A_389 : i32 to vector<16xi32>
        %broadcast_in_dim3A_392 = vector.broadcast %jit3A_390 : i32 to vector<16xi32>
        %select_n3A_393 = arith.select %and3A_388, %broadcast_in_dim3A_391, %broadcast_in_dim3A_392 : vector<16xi1>, vector<16xi32>
        %or3A_394 = arith.ori %or3A_383, %select_n3A_393 : vector<16xi32>
        %ge3A_395 = vector.broadcast %reduce_sum3A_113 : i32 to vector<16xi32>
        %ge3A_396 = arith.cmpi sge, %add3A_308, %ge3A_395 : vector<16xi32>
        %lt3A_397 = vector.broadcast %reduce_sum3A_241 : i32 to vector<16xi32>
        %lt3A_398 = arith.cmpi slt, %add3A_308, %lt3A_397 : vector<16xi32>
        %and3A_399 = arith.andi %ge3A_396, %lt3A_398 : vector<16xi1>
        %jit3A_400 = arith.constant 256 : i32
        %jit3A_401 = arith.constant 0 : i32
        %broadcast_in_dim3A_402 = vector.broadcast %jit3A_400 : i32 to vector<16xi32>
        %broadcast_in_dim3A_403 = vector.broadcast %jit3A_401 : i32 to vector<16xi32>
        %select_n3A_404 = arith.select %and3A_399, %broadcast_in_dim3A_402, %broadcast_in_dim3A_403 : vector<16xi1>, vector<16xi32>
        %or3A_405 = arith.ori %or3A_394, %select_n3A_404 : vector<16xi32>
        %ge3A_406 = vector.broadcast %reduce_sum3A_121 : i32 to vector<16xi32>
        %ge3A_407 = arith.cmpi sge, %add3A_308, %ge3A_406 : vector<16xi32>
        %lt3A_408 = vector.broadcast %reduce_sum3A_249 : i32 to vector<16xi32>
        %lt3A_409 = arith.cmpi slt, %add3A_308, %lt3A_408 : vector<16xi32>
        %and3A_410 = arith.andi %ge3A_407, %lt3A_409 : vector<16xi1>
        %jit3A_411 = arith.constant 512 : i32
        %jit3A_412 = arith.constant 0 : i32
        %broadcast_in_dim3A_413 = vector.broadcast %jit3A_411 : i32 to vector<16xi32>
        %broadcast_in_dim3A_414 = vector.broadcast %jit3A_412 : i32 to vector<16xi32>
        %select_n3A_415 = arith.select %and3A_410, %broadcast_in_dim3A_413, %broadcast_in_dim3A_414 : vector<16xi1>, vector<16xi32>
        %or3A_416 = arith.ori %or3A_405, %select_n3A_415 : vector<16xi32>
        %ge3A_417 = vector.broadcast %reduce_sum3A_129 : i32 to vector<16xi32>
        %ge3A_418 = arith.cmpi sge, %add3A_308, %ge3A_417 : vector<16xi32>
        %lt3A_419 = vector.broadcast %reduce_sum3A_257 : i32 to vector<16xi32>
        %lt3A_420 = arith.cmpi slt, %add3A_308, %lt3A_419 : vector<16xi32>
        %and3A_421 = arith.andi %ge3A_418, %lt3A_420 : vector<16xi1>
        %jit3A_422 = arith.constant 1024 : i32
        %jit3A_423 = arith.constant 0 : i32
        %broadcast_in_dim3A_424 = vector.broadcast %jit3A_422 : i32 to vector<16xi32>
        %broadcast_in_dim3A_425 = vector.broadcast %jit3A_423 : i32 to vector<16xi32>
        %select_n3A_426 = arith.select %and3A_421, %broadcast_in_dim3A_424, %broadcast_in_dim3A_425 : vector<16xi1>, vector<16xi32>
        %or3A_427 = arith.ori %or3A_416, %select_n3A_426 : vector<16xi32>
        %ge3A_428 = vector.broadcast %reduce_sum3A_137 : i32 to vector<16xi32>
        %ge3A_429 = arith.cmpi sge, %add3A_308, %ge3A_428 : vector<16xi32>
        %lt3A_430 = vector.broadcast %reduce_sum3A_265 : i32 to vector<16xi32>
        %lt3A_431 = arith.cmpi slt, %add3A_308, %lt3A_430 : vector<16xi32>
        %and3A_432 = arith.andi %ge3A_429, %lt3A_431 : vector<16xi1>
        %jit3A_433 = arith.constant 2048 : i32
        %jit3A_434 = arith.constant 0 : i32
        %broadcast_in_dim3A_435 = vector.broadcast %jit3A_433 : i32 to vector<16xi32>
        %broadcast_in_dim3A_436 = vector.broadcast %jit3A_434 : i32 to vector<16xi32>
        %select_n3A_437 = arith.select %and3A_432, %broadcast_in_dim3A_435, %broadcast_in_dim3A_436 : vector<16xi1>, vector<16xi32>
        %or3A_438 = arith.ori %or3A_427, %select_n3A_437 : vector<16xi32>
        %ge3A_439 = vector.broadcast %reduce_sum3A_145 : i32 to vector<16xi32>
        %ge3A_440 = arith.cmpi sge, %add3A_308, %ge3A_439 : vector<16xi32>
        %lt3A_441 = vector.broadcast %reduce_sum3A_273 : i32 to vector<16xi32>
        %lt3A_442 = arith.cmpi slt, %add3A_308, %lt3A_441 : vector<16xi32>
        %and3A_443 = arith.andi %ge3A_440, %lt3A_442 : vector<16xi1>
        %jit3A_444 = arith.constant 4096 : i32
        %jit3A_445 = arith.constant 0 : i32
        %broadcast_in_dim3A_446 = vector.broadcast %jit3A_444 : i32 to vector<16xi32>
        %broadcast_in_dim3A_447 = vector.broadcast %jit3A_445 : i32 to vector<16xi32>
        %select_n3A_448 = arith.select %and3A_443, %broadcast_in_dim3A_446, %broadcast_in_dim3A_447 : vector<16xi1>, vector<16xi32>
        %or3A_449 = arith.ori %or3A_438, %select_n3A_448 : vector<16xi32>
        %ge3A_450 = vector.broadcast %reduce_sum3A_153 : i32 to vector<16xi32>
        %ge3A_451 = arith.cmpi sge, %add3A_308, %ge3A_450 : vector<16xi32>
        %lt3A_452 = vector.broadcast %reduce_sum3A_281 : i32 to vector<16xi32>
        %lt3A_453 = arith.cmpi slt, %add3A_308, %lt3A_452 : vector<16xi32>
        %and3A_454 = arith.andi %ge3A_451, %lt3A_453 : vector<16xi1>
        %jit3A_455 = arith.constant 8192 : i32
        %jit3A_456 = arith.constant 0 : i32
        %broadcast_in_dim3A_457 = vector.broadcast %jit3A_455 : i32 to vector<16xi32>
        %broadcast_in_dim3A_458 = vector.broadcast %jit3A_456 : i32 to vector<16xi32>
        %select_n3A_459 = arith.select %and3A_454, %broadcast_in_dim3A_457, %broadcast_in_dim3A_458 : vector<16xi1>, vector<16xi32>
        %or3A_460 = arith.ori %or3A_449, %select_n3A_459 : vector<16xi32>
        %ge3A_461 = vector.broadcast %reduce_sum3A_161 : i32 to vector<16xi32>
        %ge3A_462 = arith.cmpi sge, %add3A_308, %ge3A_461 : vector<16xi32>
        %lt3A_463 = vector.broadcast %reduce_sum3A_289 : i32 to vector<16xi32>
        %lt3A_464 = arith.cmpi slt, %add3A_308, %lt3A_463 : vector<16xi32>
        %and3A_465 = arith.andi %ge3A_462, %lt3A_464 : vector<16xi1>
        %jit3A_466 = arith.constant 16384 : i32
        %jit3A_467 = arith.constant 0 : i32
        %broadcast_in_dim3A_468 = vector.broadcast %jit3A_466 : i32 to vector<16xi32>
        %broadcast_in_dim3A_469 = vector.broadcast %jit3A_467 : i32 to vector<16xi32>
        %select_n3A_470 = arith.select %and3A_465, %broadcast_in_dim3A_468, %broadcast_in_dim3A_469 : vector<16xi1>, vector<16xi32>
        %or3A_471 = arith.ori %or3A_460, %select_n3A_470 : vector<16xi32>
        %ge3A_472 = vector.broadcast %reduce_sum3A_169 : i32 to vector<16xi32>
        %ge3A_473 = arith.cmpi sge, %add3A_308, %ge3A_472 : vector<16xi32>
        %lt3A_474 = vector.broadcast %reduce_sum3A_297 : i32 to vector<16xi32>
        %lt3A_475 = arith.cmpi slt, %add3A_308, %lt3A_474 : vector<16xi32>
        %and3A_476 = arith.andi %ge3A_473, %lt3A_475 : vector<16xi1>
        %jit3A_477 = arith.constant 32768 : i32
        %jit3A_478 = arith.constant 0 : i32
        %broadcast_in_dim3A_479 = vector.broadcast %jit3A_477 : i32 to vector<16xi32>
        %broadcast_in_dim3A_480 = vector.broadcast %jit3A_478 : i32 to vector<16xi32>
        %select_n3A_481 = arith.select %and3A_476, %broadcast_in_dim3A_479, %broadcast_in_dim3A_480 : vector<16xi1>, vector<16xi32>
        %or3A_482 = arith.ori %or3A_471, %select_n3A_481 : vector<16xi32>
        %swap3A = arith.index_cast %add3A_306 : i32 to index
        %swap3A_483 = tpu.vector_load %arg6[%swap3A] {strides = array<i32>} : memref<512xi32, #tpu.memory_space<vmem>>, vector<16xi32>,
        tpu.vector_store %arg6[%swap3A], %or3A_482 {strides = array<i32>} : memref<512xi32, #tpu.memory_space<vmem>>, vector<16xi32>,
      }
      %scan3A_301 = arith.constant 32 : i32
      "tpu.region"() ({
        %run_scoped3A_302 = tpu.sem_alloc : memref<!tpu.dma_semaphore, #tpu.memory_space<semaphore_mem>>
        %dma_start3A = arith.constant 0 : i32
        %dma_start3A_303 = tpu.memref_slice %arg3[%select_n3A, %select_n3A_33, %dma_start3A] : memref<2x8x512xi32, #tpu.memory_space<hbm>> -> memref<1x1x512xi32, #tpu.memory_space<hbm>>
        %dma_start3A_304 = tpu.memref_squeeze %dma_start3A_303 : memref<1x1x512xi32, #tpu.memory_space<hbm>> -> memref<512xi32, #tpu.memory_space<hbm>>
        %dma_start3A_305 = arith.constant 0 : i32
        %dma_start3A_306 = tpu.memref_slice %arg3[%select_n3A, %select_n3A_33, %dma_start3A_305] : memref<2x8x512xi32, #tpu.memory_space<hbm>> -> memref<1x1x512xi32, #tpu.memory_space<hbm>>
        %dma_start3A_307 = tpu.memref_squeeze %dma_start3A_306 : memref<1x1x512xi32, #tpu.memory_space<hbm>> -> memref<512xi32, #tpu.memory_space<hbm>>
        tpu.enqueue_dma source(%arg6 : memref<512xi32, #tpu.memory_space<vmem>>) target(%dma_start3A_307 : memref<512xi32, #tpu.memory_space<hbm>>) target_semaphore(%run_scoped3A_302 : memref<!tpu.dma_semaphore, #tpu.memory_space<semaphore_mem>>)
        %dma_wait3A = arith.constant 0 : i32
        %dma_wait3A_308 = tpu.memref_slice %arg3[%select_n3A, %select_n3A_33, %dma_wait3A] : memref<2x8x512xi32, #tpu.memory_space<hbm>> -> memref<1x1x512xi32, #tpu.memory_space<hbm>>
        %dma_wait3A_309 = tpu.memref_squeeze %dma_wait3A_308 : memref<1x1x512xi32, #tpu.memory_space<hbm>> -> memref<512xi32, #tpu.memory_space<hbm>>
        %dma_wait3A_310 = arith.constant 0 : i32
        %dma_wait3A_311 = tpu.memref_slice %arg3[%select_n3A, %select_n3A_33, %dma_wait3A_310] : memref<2x8x512xi32, #tpu.memory_space<hbm>> -> memref<1x1x512xi32, #tpu.memory_space<hbm>>
        %dma_wait3A_312 = tpu.memref_squeeze %dma_wait3A_311 : memref<1x1x512xi32, #tpu.memory_space<hbm>> -> memref<512xi32, #tpu.memory_space<hbm>>
        tpu.wait_dma2 semaphore(%run_scoped3A_302 : memref<!tpu.dma_semaphore, #tpu.memory_space<semaphore_mem>>) src(%arg6 : memref<512xi32, #tpu.memory_space<vmem>>) dst(%dma_wait3A_312 : memref<512xi32, #tpu.memory_space<hbm>>)
        tpu.yield
      }) : () -> ()
    } else {
    }
    return
  }
}

</mosaic_0001>

<sc_bundles>
// kernel: kernel.3.cloned.1.call-start
scs
__scs_entry_jumppad:
0x0: {  	(pc) =	sbr.rel $0x88, $3  }
0x1: {  	(tag) =	ssettag $0x0;
	lr =	simm.s32 $0x1  }
0x2: {  	[smem:$0x3FA0] =	sst lr;
	_ =	strace $0xD0000000  }
0x3: {  	_ = 	snop  }
0x4: {  	_ = 	snop  }
0x5: {  	_ = 	snop  }
0x6: {  	_ = 	snop  }
0x7: {  	_ = 	snop  }
__scs_overlays_trampoline_lowered:
0x8: {  	[smem:$0x3FAF] =	sst s0  }
0x9: {  	[smem:$0x3FB0] =	sst s1  }
0xa: {  	[smem:$0x3FB1] =	sst s2  }
0xb: {  	[smem:$0x3FB2] =	sst s3  }
0xc: {  	[smem:$0x3FB3] =	sst s4  }
0xd: {  	[smem:$0x3FB4] =	sst s5  }
0xe: {  	[smem:$0x3FB5] =	sst s6  }
0xf: {  	[smem:$0x3FB6] =	sst s7  }
0x10: {  	[smem:$0x3FB7] =	sst s8  }
0x11: {  	[smem:$0x3FB8] =	sst s9;
	s0 =	simm.s32 @!p0 $0x0  }
0x12: {  	s1 =	sld [smem:$0x3F9E];
	s0 =	simm.s32 @p0 $0x1  }
0x13: {  	[smem:$0x3FB9] =	sst s0;
	s0 =	simm.s32 @!p1 $0x0  }
0x14: {  	s2 =	sld [smem:$0x3F9D];
	s0 =	simm.s32 @p1 $0x1  }
0x15: {  	[smem:$0x3FBA] =	sst s0;
	s0 =	simm.s32 @!p2 $0x0  }
0x16: {  	s3 =	sld [smem:$0x3FDB];
	s0 =	simm.s32 @p2 $0x1  }
0x17: {  	s4 =	simm.s32 $0x1BF5;
	[smem:$0x3FBC] =	sst s0  }
0x18: {  	s0 =	sld [smem:$0x3F9F];
	_ =	swait.ge [sflag:s4], $0x0  }
0x19: {  	s7 =	sld [smem:$0x3FA0]  }
0x1a: {  	s8 =	sadd.s32 $0xFFFFE003, lr  }
0x1b: {  	s9 =	sadd.s32 $0xFFFFFEF7, lr;
	s5 =	simm.s32 $0xFFFFFFFF;
	p2 =	slt.u32 s8, $0xFFFFF086  }
0x1c: {  	p1 =	slt.u32 s9, $0xF7A;
	s5 =	simm.s32 @!p2 $0x0  }
0x1d: {  	s5 =	simm.s32 @p1 $0x1;
	p0 =	seq.s32 s7, s2  }
0x1e: {  	s7 =	smul.u32 @!p0 $0xF7A, s2;
	p2 =	seq.s32 @!p0 s5, $0x0  }
0x1f: {  	s9 =	smul.u32 $0xF7A, s1;
	s8 =	simm.s32 @!p0 $0x1BF5;
	p2 =	por !p2, p0  }
0x20: {  	[sflag:s8] =	ssyncset.s32 @!p0 $0xFFFFF086;
	s6 =	sadd.s32 @!p0 s3, s7;
	s7 =	simm.s32 @!p0 $0x108  }
0x21: {  	s3 =	sadd.s32 s3, s9;
	s6 =	sadd.s32 @!p0 $0x88, s6;
	s7 =	simm.s32 @p2 $0x1082  }
0x22: {  	[simem:s7], [sflag:s8] =	dma.local @!p0 [hbm:s6], $0xF7A  }
0x23: {  	s9 =	sor.u32 $0xD0000000, s2;
	s6 =	simm.s32 $0x108;
	_ =	swait.ge @!p0 [sflag:s8], $0x0  }
0x24: {  	s3 =	sadd.s32 $0x88, s3;
	s6 =	simm.s32 @!p1 $0x1082;
	[sflag:s4] =	ssyncset.s32 $0xFFFFF086  }
0x25: {  	[simem:s6], [sflag:s4] =	dma.local [hbm:s3], $0xF7A  }
0x26: {  	[smem:$0x3FA0] =	sst s1;
	(tag) =	ssettag s2;
	_ =	strace s9  }
0x27: {  	s1 =	sld [smem:$0x3FB0]  }
0x28: {  	s2 =	sld [smem:$0x3FB1]  }
0x29: {  	s4 =	sld [smem:$0x3FB3]  }
0x2a: {  	p0 =	seq.s32 s5, $0x0;
	s5 =	sld [smem:$0x3FB4]  }
0x2b: {  	s6 =	sld [smem:$0x3FB5]  }
0x2c: {  	s7 =	sld [smem:$0x3FB6]  }
0x2d: {  	s3 =	simm.s32 $0x108;
	s8 =	sld [smem:$0x3FB7]  }
0x2e: {  	s3 =	simm.s32 @!p0 $0x1082;
	s9 =	sld [smem:$0x3FB8]  }
0x2f: {  	lr =	sadd.s32 s0, s3;
	s0 =	sld [smem:$0x3FAF]  }
0x30: {  	s3 =	sld [smem:$0x3FB2]  }
0x31: {  	[smem:$0x3FBB] =	sst s10  }
0x32: {  	s10 =	sld [smem:$0x3FB9];
	_ =	sdelay $0x3  }
0x33: {  	p0 =	seq.s32 s10, $0x1;
	s10 =	sld [smem:$0x3FBB];
	_ =	sdelay $0x3  }
0x34: {  	[smem:$0x3FBB] =	sst s10  }
0x35: {  	s10 =	sld [smem:$0x3FBA];
	_ =	sdelay $0x3  }
0x36: {  	p1 =	seq.s32 s10, $0x1;
	s10 =	sld [smem:$0x3FBB];
	_ =	sdelay $0x3  }
0x37: {  	[smem:$0x3FBB] =	sst s10  }
0x38: {  	s10 =	sld [smem:$0x3FBC]  }
0x39: {  	_ = 	snop;
	(pc) =	sbr.ind lr, $3  }
0x3a: {  	_ = 	snop  }
0x3b: {  	_ = 	snop  }
0x3c: {  	p2 =	seq.s32 s10, $0x1;
	s10 =	sld [smem:$0x3FBB]  }
0x3d: {  	_ =	shalt  }
0x3e: {  	_ =	shalt  }
0x3f: {  	_ =	shalt  }
0x40: {  	_ =	shalt  }
0x41: {  	_ =	shalt  }
0x42: {  	_ =	shalt  }
0x43: {  	_ =	shalt  }
0x44: {  	_ =	shalt  }
0x45: {  	_ =	shalt  }
0x46: {  	_ =	shalt  }
0x47: {  	_ =	shalt  }
0x48: {  	_ =	shalt  }
0x49: {  	_ =	shalt  }
0x4a: {  	_ =	shalt  }
0x4b: {  	_ =	shalt  }
0x4c: {  	_ =	shalt  }
0x4d: {  	_ =	shalt  }
0x4e: {  	_ =	shalt  }
0x4f: {  	_ =	shalt  }
0x50: {  	_ =	shalt  }
0x51: {  	_ =	shalt  }
0x52: {  	_ =	shalt  }
0x53: {  	_ =	shalt  }
0x54: {  	_ =	shalt  }
0x55: {  	_ =	shalt  }
0x56: {  	_ =	shalt  }
0x57: {  	_ =	shalt  }
0x58: {  	_ =	shalt  }
0x59: {  	_ =	shalt  }
0x5a: {  	_ =	shalt  }
0x5b: {  	_ =	shalt  }
0x5c: {  	_ =	shalt  }
0x5d: {  	_ =	shalt  }
0x5e: {  	_ =	shalt  }
0x5f: {  	_ =	shalt  }
0x60: {  	_ =	shalt  }
0x61: {  	_ =	shalt  }
0x62: {  	_ =	shalt  }
0x63: {  	_ =	shalt  }
0x64: {  	_ =	shalt  }
0x65: {  	_ =	shalt  }
0x66: {  	_ =	shalt  }
0x67: {  	_ =	shalt  }
0x68: {  	_ =	shalt  }
0x69: {  	_ =	shalt  }
0x6a: {  	_ =	shalt  }
0x6b: {  	_ =	shalt  }
0x6c: {  	_ =	shalt  }
0x6d: {  	_ =	shalt  }
0x6e: {  	_ =	shalt  }
0x6f: {  	_ =	shalt  }
0x70: {  	_ =	shalt  }
0x71: {  	_ =	shalt  }
0x72: {  	_ =	shalt  }
0x73: {  	_ =	shalt  }
0x74: {  	_ =	shalt  }
0x75: {  	_ =	shalt  }
0x76: {  	_ =	shalt  }
0x77: {  	_ =	shalt  }
0x78: {  	_ =	shalt  }
0x79: {  	_ =	shalt  }
0x7a: {  	_ =	shalt  }
0x7b: {  	_ =	shalt  }
0x7c: {  	_ =	shalt  }
0x7d: {  	_ =	shalt  }
0x7e: {  	_ =	shalt  }
0x7f: {  	_ =	shalt  }
0x80: {  	_ =	shalt  }
0x81: {  	_ =	shalt  }
0x82: {  	_ =	shalt  }
0x83: {  	_ =	shalt  }
0x84: {  	_ =	shalt  }
0x85: {  	_ =	shalt  }
0x86: {  	_ =	shalt  }
0x87: {  	_ =	shalt  }
.Lfunc_end0:
.L_simem_size_0:
called_computation_lowered:
.L_overlay_start_0:
0x88: {  	s2 =	sld [smem:$0x3FD9]  }
0x89: {  	s3 =	sld [smem:$0x3FFE];
	_ =	sdelay $0x1  }
0x8a: {  	s1 =	srdreg.scid  }
0x8b: {  	s0 =	sand.u32 $0x1, s1  }
0x8c: {  	s17 =	sshll.u32 s0, $0xA;
	s2 =	sadd.s32 s3, s2  }
0x8d: {  	s2 =	sadd.s32 s2, s17  }
0x8e: {  	[smem:$0x3FC7] =	sst s2  }
0x8f: {  	_ = 	snop  }
0x90: {  	s2 =	sld [smem:$0x3FD0];
	(tm) =	ssettm $0x1  }
0x91: {  	s18 =	sld [smem:$0x3FFB];
	_ =	sdelay $0x3  }
0x92: {  	_ =	strace s18  }
0x93: {  	s3 =	sld [smem:$0x3FFC];
	_ =	sdelay $0x3  }
0x94: {  	_ =	strace s3  }
0x95: {  	s3 =	sld [smem:$0x3FFD];
	_ =	sdelay $0x3  }
0x96: {  	_ =	strace s3  }
0x97: {  	_ =	strace $0x8FFFFFFF  }
0x98: {  	s19 =	sld [smem:$0x3FDB];
	_ =	sdelay $0x1  }
0x99: {  	s4 =	simm.s32 $_scs_section_size  }
0x9a: {  	s5 =	simm.s32 $_size__tile_overlayer_lowered;
	s6 =	simm.s32 $_tile_overlayer_lowered  }
0x9b: {  	s22 =	simm.s32 $0x1BFF;
	s21 =	sshll.u32 s6, $0x1;
	s3 =	sadd.s32 s4, s19  }
0x9c: {  	s7 =	simm.s32 $0x0;
	s20 =	sshll.u32 s5, $0x1;
	s5 =	sadd.s32 s21, s3  }
0x9d: {  	[timem:s7], [sflag:s22] =	dma.local [hbm:s5], s20  }
0x9e: {  	_ =	swait.ge [sflag:s22], s20  }
0x9f: {  	s4 =	ssub.s32 $0x0, s20;
	[sflag:s22] =	ssyncset.done $0x0  }
0xa0: {  	[sflag:s22] =	ssyncadd.s32 s4;
	_ =	sdelay $0x1  }
0xa1: {  	s23 =	simm.s32 $0x1B8B  }
0xa2: {  	_ =	swait.ge [sflag:s23], $0x1  }
0xa3: {  	[sflag:s23] =	ssyncset.done $0x0  }
0xa4: {  	s25 =	simm.s32 $0x1B8E;
	s24 =	sld [smem:$0x3FFE];
	[sflag:s23] =	ssyncadd.s32 $0xFFFFFFFF  }
0xa5: {  	s26 =	simm.s32 $execute0_lowered;
	[smem:$0x3FD2] =	sst s25  }
0xa6: {  	s5 =	sshll.u32 s26, $0x1;
	_ =	strace $0x80000046;
	[dreg:$0x1] =	wrdreg $0xFFFFFFFF  }
0xa7: {  	s28 =	simm.s32 $_size_execute0_lowered;
	s3 =	sadd.s32 s3, s5;
	[dreg:$0x0] =	wrdreg $0x0  }
0xa8: {  	s5 =	sshll.u32 s28, $0x1;
	[dreg:$0x2] =	wrdreg s3  }
0xa9: {  	[dreg:$0x3] =	wrdreg s5  }
0xaa: {  	[dreg:$0x4] =	wrdreg $0xC0  }
0xab: {  	_ =	task [dreg:s7], $0x5FFFF  }
0xac: {  	[dreg:$0x1] =	wrdreg $0xFFFFFFFF  }
0xad: {  	[dreg:$0x0] =	wrdreg $0x60  }
0xae: {  	[dreg:$0x2] =	wrdreg s24  }
0xaf: {  	[dreg:$0x3] =	wrdreg s2  }
0xb0: {  	[dreg:$0x4] =	wrdreg $0x9  }
0xb1: {  	_ =	task.clear_ibuf [dreg:s7], $0x5FFFF;
	_ =	strace $0x90000046  }
0xb2: {  	s29 =	simm.s32 $0x9;
	_ =	strace $0x80000048  }
0xb3: {  	_ =	swait.ge [sflag:s29], $0x1  }
0xb4: {  	[sflag:s29] =	ssyncadd.s32 $0xFFFFFFFF  }
0xb5: {  	_ =	strace $0x90000048  }
0xb6: {  	_ =	sfence  }
0xb7: {  	s30 =	sld [smem:$0x0];
	_ =	sdelay $0x2  }
0xb8: {  	s31 =	sshll.u32 s1, $0xD;
	s1 =	sshrl.u32 s1, $0x2  }
0xb9: {  	s3 =	sand.u32 $0x4000, s31;
	s1 =	sadd.s32 s1, s30  }
0xba: {  	s0 =	sor.u32 s3, s0;
	s1 =	sshll.u32 s1, $0x11  }
0xbb: {  	s0 =	sor.u32 s1, s0  }
0xbc: {  	s0 =	sadd.s32 $0x8F2B, s0  }
0xbd: {  	[sflag:s0] =	ssyncadd.remote.s32 $0x1  }
0xbe: {  	_ =	sfence.sel $0xFFFF  }
0xbf: {  	[dreg:$0x0] =	wrdreg $0xFFFFFFFF;
	(pc) =	sbr.abs _section_cstart, $3  }
0xc0: {  	[dreg:$0x1] =	wrdreg $0xFFFFFFFF  }
0xc1: {  	_ =	task.clear_ibuf [dreg:s7], $0x2FFFF;
	_ =	strace $0x9FFFFFFF  }
0xc2: {  	(tm) =	ssettm $0x7FFFFFFF  }
0xc3: {  	_ =	shalt  }
tec
execute0_lowered:
.L_overlay_start_1:
0x0: {  	(tag) =	ssettag $0x1  }
0x1: {  	s1 =	srdreg.scid  }
0x2: {  	s1 =	sand.u32 $0x1, s1  }
0x3: {  	p0 =	seq.s32 s1, $0x1  }
.Ltmp0:
0x4: {  	_ = 	snop;
	(pc) =	sbr.rel @p0 .LBB2_4-.Ltmp0, $4  }
0x5: {  	s6 =	rddreg [dreg:$0x0]  }
0x6: {  	s2 =	rddreg [dreg:$0x1];
	s5 =	simm.s32 $0x0  }
0x7: {  	[smem:$0x7FF] =	sst s5  }
0x8: {  	s0 =	rddreg [dreg:$0x2];
	_ =	strace $0x80000047;
	s1 =	stileid.u32  }
0x9: {  	s3 =	sshrl.u32 s1, $0x3;
	s4 =	sand.u32 $0x7, s1  }
0xa: {  	s7 =	sshll.u32 s3, $0x6;
	s8 =	sshll.u32 s4, $0x1  }
0xb: {  	s6 =	sadd.s32 $0x400, s6;
	s7 =	sor.u32 s8, s7  }
0xc: {  	s28 =	simm.s32 $0x1;
	s6 =	sadd.s32 s6, s7  }
0xd: {  	[tilespmem:s5], [sflag:$0x1] =	stream.linear.gather [hbm4b:s6+s5], $0x10, $0x38;
	[tilespmem:$0x300] =	vst v63  }
0xe: {  	_ =	swait.ge [sflag:s28], $0x10  }
0xf: {  	[sflag:s28] =	ssyncset.done $0x0  }
0x10: {  	s29 =	simm.s32 $0x80;
	s6 =	sadd.s32 $0x20, s6;
	[sflag:s28] =	ssyncadd.s32 $0xFFFFFFF0  }
0x11: {  	[tilespmem:s29], [sflag:$0x1] =	stream.linear.gather [hbm4b:s6+s5], $0x10, $0x38;
	[tilespmem:$0x300] =	vst v63  }
0x12: {  	_ =	swait.ge [sflag:s28], $0x10  }
0x13: {  	[sflag:s28] =	ssyncset.done $0x0  }
0x14: {  	[sflag:s28] =	ssyncadd.s32 $0xFFFFFFF0  }
0x15: {  	v0 =	vld [tilespmem:$0x0];
	_ =	sdelay $0x3  }
0x16: {  	vm13 =	vmmov $0x1  }
0x17: {  	vm5 =	vcmask $0x308;
	v1 =	vnsel vm13, $0x0, v0  }
0x18: {  	vm6 =	vcmask $0x70C;
	(xrf0) =	vadd.scan.msk.s32 $0xffff, v1;
	v1 =	vsel vm5, $0x0, v0  }
0x19: {  	vm7 =	vcmask $0xB10;
	(xrf0) =	vadd.scan.msk.s32 $0xffff, v1;
	v1 =	vsel vm6, $0x0, v0  }
0x1a: {  	vm8 =	vcmask $0xF14;
	(xrf0) =	vadd.scan.msk.s32 $0xffff, v1;
	v1 =	vsel vm7, $0x0, v0  }
0x1b: {  	vm9 =	vcmask $0x1318;
	(xrf0) =	vadd.scan.msk.s32 $0xffff, v1;
	v1 =	vsel vm8, $0x0, v0  }
0x1c: {  	vm10 =	vcmask $0x171C;
	(xrf0) =	vadd.scan.msk.s32 $0xffff, v1;
	v1 =	vsel vm9, $0x0, v0  }
0x1d: {  	vm11 =	vcmask $0x1B20;
	(xrf0) =	vadd.scan.msk.s32 $0xffff, v1;
	v1 =	vsel vm10, $0x0, v0  }
0x1e: {  	vm14 =	vcmask $0x1F24;
	v2, _, _ =	vpop (xrf0);
	(xrf0) =	vadd.scan.msk.s32 $0xffff, v1;
	v1 =	vsel vm11, $0x0, v0  }
0x1f: {  	vm15 =	vcmask $0x2328;
	v3, _, _ =	vpop (xrf0);
	(xrf0) =	vadd.scan.msk.s32 $0xffff, v1;
	v1 =	vsel vm14, $0x0, v0  }
0x20: {  	vm12 =	vcmask $0x272C;
	v4, _, _ =	vpop (xrf0);
	(xrf0) =	vadd.scan.msk.s32 $0xffff, v1;
	v1 =	vsel vm15, $0x0, v0  }
0x21: {  	vm3 =	vcmask $0x2B30;
	v6, _, _ =	vpop (xrf0);
	(xrf0) =	vadd.scan.msk.s32 $0xffff, v1;
	v1 =	vsel vm12, $0x0, v0  }
0x22: {  	vm4 =	vcmask $0x2F34;
	vm2 =	vcmask $0x3338;
	v14 =	vld [tilespmem:$0x80];
	v9, _, _ =	vpop (xrf0);
	(xrf0) =	vadd.scan.msk.s32 $0xffff, v1;
	v1 =	vsel vm3, $0x0, v0  }
0x23: {  	vm1 =	vcmask $0x373C;
	vm0 =	vmmov $0x7fff;
	v11, _, _ =	vpop (xrf0);
	(xrf0) =	vadd.scan.msk.s32 $0xffff, v1;
	v1 =	vsel vm4, $0x0, v0  }
0x24: {  	v30 =	vlaneseq.u32;
	v49 =	vimm.s32 $0x0;
	v13, _, _ =	vpop (xrf0);
	(xrf0) =	vadd.scan.msk.s32 $0xffff, v1;
	v1 =	vsel vm2, $0x0, v0  }
0x25: {  	v50 =	vimm.s32 $0x0;
	v51 =	vimm.s32 $0x0;
	v15, _, _ =	vpop (xrf0);
	(xrf0) =	vadd.scan.msk.s32 $0xffff, v1;
	v1 =	vsel vm1, $0x0, v0  }
0x26: {  	v52 =	vimm.s32 $0x0;
	v53 =	vimm.s32 $0x0;
	v0 =	vsel vm0, $0x0, v0;
	v17, _, _ =	vpop (xrf0);
	(xrf0) =	vadd.scan.msk.s32 $0xffff, v1  }
0x27: {  	v54 =	vimm.s32 $0x0;
	v55 =	vimm.s32 $0x0;
	v19, _, _ =	vpop (xrf0);
	(xrf0) =	vadd.scan.msk.s32 $0xffff, v0;
	v0 =	vnsel vm13, $0x0, v14  }
0x28: {  	v56 =	vimm.s32 $0x0;
	v34 =	vor.u32 s5, v30;
	v21, _, _ =	vpop (xrf0);
	(xrf0) =	vadd.scan.msk.s32 $0xffff, v0;
	v0 =	vsel vm5, $0x0, v14  }
0x29: {  	v7 =	vsel vm14, $0x0, v14;
	v16 =	vsel vm3, $0x0, v14;
	v23, _, _ =	vpop (xrf0);
	(xrf0) =	vadd.scan.msk.s32 $0xffff, v0;
	v0 =	vsel vm6, $0x0, v14  }
0x2a: {  	v9 =	vbroadcast v9, $0xF;
	v11 =	vbroadcast v11, $0xF;
	v25, _, _ =	vpop (xrf0);
	(xrf0) =	vadd.scan.msk.s32 $0xffff, v0;
	v0 =	vsel vm7, $0x0, v14  }
0x2b: {  	v13 =	vbroadcast v13, $0xF;
	v15 =	vbroadcast v15, $0xF;
	v27, _, _ =	vpop (xrf0);
	(xrf0) =	vadd.scan.msk.s32 $0xffff, v0;
	v0 =	vsel vm8, $0x0, v14  }
0x2c: {  	v17 =	vbroadcast v17, $0xF;
	v19 =	vbroadcast v19, $0xF;
	v28, _, _ =	vpop (xrf0);
	(xrf0) =	vadd.scan.msk.s32 $0xffff, v0;
	v0 =	vsel vm9, $0x0, v14  }
0x2d: {  	v23 =	vbroadcast v23, $0xF;
	v25 =	vbroadcast v25, $0xF;
	v29, _, _ =	vpop (xrf0);
	(xrf0) =	vadd.scan.msk.s32 $0xffff, v0;
	v0 =	vsel vm10, $0x0, v14  }
0x2e: {  	v21 =	vbroadcast v21, $0xF;
	v27 =	vbroadcast v27, $0xF;
	v1, _, _ =	vpop (xrf0);
	(xrf0) =	vadd.scan.msk.s32 $0xffff, v0;
	v0 =	vsel vm11, $0x0, v14  }
0x2f: {  	vm8 =	vge.s32 v34, v23;
	v28 =	vbroadcast v28, $0xF;
	vm6 =	vge.s32 v34, v25;
	v5, _, _ =	vpop (xrf0);
	(xrf0) =	vadd.scan.msk.s32 $0xffff, v0  }
0x30: {  	vm10 =	vge.s32 v34, v21;
	v29 =	vbroadcast v29, $0xF;
	v8, _, _ =	vpop (xrf0);
	(xrf0) =	vadd.scan.msk.s32 $0xffff, v7;
	v7 =	vsel vm15, $0x0, v14  }
0x31: {  	v0 =	vbroadcast v2, $0xF;
	v1 =	vbroadcast v1, $0xF;
	v10, _, _ =	vpop (xrf0);
	(xrf0) =	vadd.scan.msk.s32 $0xffff, v7;
	v7 =	vsel vm12, $0x0, v14  }
0x32: {  	vm11 =	vge.s32 v34, v19;
	v2 =	vbroadcast v3, $0xF;
	v3 =	vbroadcast v5, $0xF;
	v12, _, _ =	vpop (xrf0);
	(xrf0) =	vadd.scan.msk.s32 $0xffff, v7  }
0x33: {  	v5 =	vbroadcast v4, $0xF;
	v7 =	vbroadcast v6, $0xF;
	v6, _, _ =	vpop (xrf0);
	(xrf0) =	vadd.scan.msk.s32 $0xffff, v16;
	v16 =	vsel vm4, $0x0, v14  }
0x34: {  	v4 =	vbroadcast v8, $0xF;
	vm12 =	vge.s32 v34, v0;
	v18, _, _ =	vpop (xrf0);
	(xrf0) =	vadd.scan.msk.s32 $0xffff, v16;
	v16 =	vsel vm2, $0x0, v14  }
0x35: {  	vm13 =	vlt.s32 v34, v1;
	v8 =	vbroadcast v10, $0xF;
	v20, _, _ =	vpop (xrf0);
	(xrf0) =	vadd.scan.msk.s32 $0xffff, v16;
	v16 =	vsel vm1, $0x0, v14  }
0x36: {  	v10 =	vbroadcast v12, $0xF;
	v12 =	vbroadcast v6, $0xF;
	v6, _, _ =	vpop (xrf0);
	(xrf0) =	vadd.scan.msk.s32 $0xffff, v16;
	v16 =	vsel vm0, $0x0, v14  }
0x37: {  	vm14 =	vge.s32 v34, v2;
	vm15 =	vlt.s32 v34, v3;
	vm13 =	vmand vm12, vm13;
	v22, _, _ =	vpop (xrf0);
	(xrf0) =	vadd.scan.msk.s32 $0xffff, v16  }
0x38: {  	vm4 =	vge.s32 v34, v27;
	v14 =	vbroadcast v18, $0xF;
	v16 =	vbroadcast v20, $0xF;
	v24, _, _ =	vpop (xrf0)  }
0x39: {  	vm14 =	vmand vm14, vm15;
	v18 =	vbroadcast v6, $0xF;
	v20 =	vbroadcast v22, $0xF;
	v6, _, _ =	vpop (xrf0)  }
0x3a: {  	vm15 =	vge.s32 v34, v5;
	v22 =	vbroadcast v24, $0xF;
	v26, _, _ =	vpop (xrf0);
	v24 =	vbroadcast v6, $0xF  }
0x3b: {  	vm2 =	vge.s32 v34, v28;
	vm0 =	vge.s32 v34, v29;
	v33, _, _ =	vpop (xrf0);
	v26 =	vbroadcast v26, $0xF  }
0x3c: {  	vm12 =	vlt.s32 v34, v22;
	v6, _, _ =	vpop (xrf0);
	v33 =	vbroadcast v33, $0xF;
	vm9 =	vlt.s32 v34, v24  }
0x3d: {  	v32, _, _ =	vpop (xrf0);
	v31 =	vbroadcast v6, $0xF;
	v6 =	vimm.s32 $0x0;
	vm7 =	vlt.s32 v34, v26  }
0x3e: {  	v32 =	vbroadcast v32, $0xF;
	vm5 =	vlt.s32 v34, v33;
	v35 =	vsel vm13, $0x1, v6  }
0x3f: {  	vm13 =	vlt.s32 v34, v4;
	v36 =	vsel vm14, $0x2, v6;
	vm14 =	vge.s32 v34, v7  }
0x40: {  	vm3 =	vlt.s32 v34, v31;
	vm13 =	vmand vm15, vm13;
	vm15 =	vge.s32 v34, v9  }
0x41: {  	v35 =	vor.u32 v35, v36;
	v37 =	vsel vm13, $0x4, v6;
	vm13 =	vlt.s32 v34, v8  }
0x42: {  	vm1 =	vlt.s32 v34, v32;
	vm13 =	vmand vm14, vm13;
	vm14 =	vlt.s32 v34, v10  }
0x43: {  	v35 =	vor.u32 v37, v35;
	v59 =	vsel vm13, $0x8, v6;
	vm14 =	vmand vm15, vm14  }
0x44: {  	vm13 =	vge.s32 v34, v11;
	vm15 =	vlt.s32 v34, v12;
	v60 =	vsel vm14, $0x10, v6  }
0x45: {  	vm14 =	vge.s32 v34, v13;
	vm13 =	vmand vm13, vm15;
	vm15 =	vge.s32 v34, v15  }
0x46: {  	v35 =	vor.u32 v59, v35;
	v61 =	vsel vm13, $0x20, v6;
	vm13 =	vlt.s32 v34, v14  }
0x47: {  	v35 =	vor.u32 v60, v35;
	vm13 =	vmand vm14, vm13;
	vm14 =	vlt.s32 v34, v16  }
0x48: {  	v35 =	vor.u32 v61, v35;
	v62 =	vsel vm13, $0x40, v6;
	vm14 =	vmand vm15, vm14  }
0x49: {  	vm13 =	vge.s32 v34, v17;
	vm15 =	vlt.s32 v34, v18;
	v63 =	vsel vm14, $0x80, v6  }
0x4a: {  	vm14 =	vlt.s32 v34, v20;
	v40 =	vor.u32 v62, v35;
	vm13 =	vmand vm13, vm15  }
0x4b: {  	v34 =	vor.u32 v63, v40;
	v41 =	vsel vm13, $0x100, v6;
	vm11 =	vmand vm11, vm14  }
0x4c: {  	vm10 =	vmand vm10, vm12;
	v34 =	vor.u32 v41, v34;
	v42 =	vsel vm11, $0x200, v6  }
0x4d: {  	vm8 =	vmand vm8, vm9;
	v43 =	vsel vm10, $0x400, v6;
	v34 =	vor.u32 v42, v34  }
0x4e: {  	v44 =	vsel vm8, $0x800, v6;
	vm6 =	vmand vm6, vm7;
	v34 =	vor.u32 v43, v34  }
0x4f: {  	v45 =	vsel vm6, $0x1000, v6;
	vm4 =	vmand vm4, vm5;
	v34 =	vor.u32 v44, v34  }
0x50: {  	s30 =	simm.s32 $0x10;
	v46 =	vsel vm4, $0x2000, v6;
	vm2 =	vmand vm2, vm3;
	v34 =	vor.u32 v45, v34  }
0x51: {  	vm0 =	vmand vm0, vm1;
	v35 =	vor.u32 v46, v34;
	v34 =	vor.u32 s30, v30  }
0x52: {  	v47 =	vsel vm2, $0x4000, v6;
	v48 =	vsel vm0, $0x8000, v6;
	vm0 =	vge.s32 v34, v29  }
0x53: {  	v57 =	vimm.s32 $0x0;
	v35 =	vor.u32 v47, v35;
	v37 =	vsel vm0, $0xFFFFFFFF, v49  }
0x54: {  	v58 =	vimm.s32 $0x0;
	s31 =	sshll.u32 s3, $0x9;
	s3 =	simm.s32 $0x100;
	v35 =	vor.u32 v48, v35;
	vm0 =	vge.s32 v34, v28;
	[tilespmem:$0x1FF10] =	vst v37  }
0x55: {  	v59 =	vimm.s32 $0x0;
	v36 =	vsel vm0, $0xFFFFFFFF, v50;
	vm0 =	vlt.s32 v34, v31;
	[tilespmem:s3+$0x0] =	vst v35  }
0x56: {  	v60 =	vimm.s32 $0x0;
	[tilespmem:$0x1FF20] =	vst v36;
	v36 =	vsel vm0, $0xFFFFFFFF, v51;
	vm0 =	vlt.s32 v34, v32  }
0x57: {  	v61 =	vimm.s32 $0x0;
	[tilespmem:$0x1FF30] =	vst v36;
	v36 =	vsel vm0, $0xFFFFFFFF, v52;
	vm0 =	vge.s32 v34, v25  }
0x58: {  	v62 =	vimm.s32 $0x0;
	[tilespmem:$0x1FF40] =	vst v36;
	v36 =	vsel vm0, $0xFFFFFFFF, v53;
	vm0 =	vge.s32 v34, v27  }
0x59: {  	v63 =	vimm.s32 $0x0;
	[tilespmem:$0x1FF50] =	vst v36;
	v36 =	vsel vm0, $0xFFFFFFFF, v54;
	vm0 =	vlt.s32 v34, v33  }
0x5a: {  	vm15 =	vlt.s32 v34, v18;
	[tilespmem:$0x1FF60] =	vst v36;
	v36 =	vsel vm0, $0xFFFFFFFF, v55;
	vm0 =	vge.s32 v34, v23  }
0x5b: {  	vm2 =	vge.s32 v34, v13;
	[tilespmem:$0x1FF70] =	vst v36;
	v36 =	vsel vm0, $0xFFFFFFFF, v56;
	vm0 =	vlt.s32 v34, v24  }
0x5c: {  	vm1 =	vlt.s32 v34, v16;
	[tilespmem:$0x1FF80] =	vst v36;
	v36 =	vsel vm0, $0xFFFFFFFF, v57;
	vm0 =	vlt.s32 v34, v26  }
0x5d: {  	vm4 =	vge.s32 v34, v11;
	[tilespmem:$0x1FF90] =	vst v36;
	v36 =	vsel vm0, $0xFFFFFFFF, v58;
	vm0 =	vge.s32 v34, v19  }
0x5e: {  	vm5 =	vlt.s32 v34, v12;
	[tilespmem:$0x1FFA0] =	vst v36;
	v36 =	vsel vm0, $0xFFFFFFFF, v59;
	vm0 =	vge.s32 v34, v21  }
0x5f: {  	vm3 =	vlt.s32 v34, v14;
	[tilespmem:$0x1FFB0] =	vst v36;
	v36 =	vsel vm0, $0xFFFFFFFF, v60;
	vm0 =	vlt.s32 v34, v22  }
0x60: {  	vm8 =	vge.s32 v34, v7;
	[tilespmem:$0x1FFC0] =	vst v36;
	v36 =	vsel vm0, $0xFFFFFFFF, v61;
	vm0 =	vge.s32 v34, v17  }
0x61: {  	s4 =	sshll.u32 s4, $0x4;
	vm6 =	vge.s32 v34, v9;
	[tilespmem:$0x1FFD0] =	vst v36;
	v36 =	vsel vm0, $0xFFFFFFFF, v62;
	vm0 =	vlt.s32 v34, v20  }
0x62: {  	s2 =	sadd.s32 s2, s4;
	vm7 =	vlt.s32 v34, v10;
	vm11 =	vge.s32 v34, v0;
	[tilespmem:$0x1FFE0] =	vst v36;
	v36 =	vsel vm0, $0xFFFFFFFF, v63  }
0x63: {  	s4 =	simm.s32 $0x20;
	s2 =	sadd.s32 s31, s2;
	vm10 =	vge.s32 v34, v5;
	vm9 =	vlt.s32 v34, v8;
	vm0 =	vge.s32 v34, v15;
	[tilespmem:$0x1FFF0] =	vst v36  }
.LBB2_2:
0x64: {  	vm12 =	vlt.s32 v34, v1;
	vm13 =	vge.s32 v34, v2  }
0x65: {  	vm14 =	vlt.s32 v34, v3;
	vm8 =	vmand vm8, vm9;
	vm6 =	vmand vm6, vm7  }
0x66: {  	vm4 =	vmand vm4, vm5;
	vm2 =	vmand vm2, vm3;
	vm0 =	vmand vm0, vm1;
	v36 =	vld [tilespmem:$0x1FFE0]  }
0x67: {  	v54 =	vld [tilespmem:$0x1FFF0];
	v37 =	vimm.s32 $0x0;
	vm11 =	vmand vm11, vm12;
	vm12 =	vmand vm13, vm14  }
0x68: {  	vm13 =	vlt.s32 v34, v4;
	v47 =	vsel vm8, $0x8, v6;
	v48 =	vsel vm6, $0x10, v6  }
0x69: {  	v53 =	vld [tilespmem:$0x1FFB0];
	v45 =	vsel vm11, $0x1, v6;
	v35 =	vsel vm12, $0x2, v6;
	vm10 =	vmand vm10, vm13  }
0x6a: {  	v57 =	vld [tilespmem:$0x1FFD0];
	v49 =	vsel vm4, $0x20, v6;
	v34 =	vor.u32 v45, v35;
	v46 =	vsel vm10, $0x4, v6  }
0x6b: {  	v56 =	vld [tilespmem:$0x1FFC0];
	v50 =	vsel vm2, $0x40, v6;
	v51 =	vsel vm0, $0x80, v6;
	v34 =	vor.u32 v46, v34  }
0x6c: {  	v59 =	vld [tilespmem:$0x1FF80];
	v34 =	vor.u32 v47, v34;
	vm0 =	vnez.u8 v36;
	vm1 =	vnez.u8 v54  }
0x6d: {  	v60 =	vld [tilespmem:$0x1FF90];
	v54 =	vimm.s32 $0x0;
	v34 =	vor.u32 v48, v34;
	vm0 =	vmand vm0, vm15  }
0x6e: {  	v62 =	vld [tilespmem:$0x1FF50];
	v34 =	vor.u32 v49, v34;
	v52 =	vsel vm0, $0x100, v6;
	vm0 =	vnez.u8 v53  }
0x6f: {  	v63 =	vld [tilespmem:$0x1FFA0];
	v34 =	vor.u32 v50, v34;
	vm0 =	vmand vm0, vm1;
	vm1 =	vnez.u8 v57  }
0x70: {  	v41 =	vld [tilespmem:$0x1FF60];
	v34 =	vor.u32 v51, v34;
	v55 =	vsel vm0, $0x200, v6;
	vm0 =	vnez.u8 v56  }
0x71: {  	v42 =	vld [tilespmem:$0x1FF70];
	v53 =	vimm.s32 $0x0;
	v34 =	vor.u32 v52, v34;
	vm0 =	vmand vm0, vm1  }
0x72: {  	v44 =	vld [tilespmem:$0x1FF20];
	vm1 =	vnez.u8 v60;
	v58 =	vsel vm0, $0x400, v6;
	vm0 =	vnez.u8 v59  }
0x73: {  	v45 =	vld [tilespmem:$0x1FF30];
	v50 =	vimm.s32 $0x0;
	v34 =	vor.u32 v55, v34;
	vm0 =	vmand vm0, vm1  }
0x74: {  	v47 =	vld [tilespmem:$0x1FF10];
	vm1 =	vnez.u8 v63;
	v61 =	vsel vm0, $0x800, v6;
	vm0 =	vnez.u8 v62  }
0x75: {  	v48 =	vld [tilespmem:$0x1FF40];
	v57 =	vimm.s32 $0x0;
	v34 =	vor.u32 v58, v34;
	vm0 =	vmand vm0, vm1  }
0x76: {  	vm1 =	vnez.u8 v42;
	v40 =	vsel vm0, $0x1000, v6;
	vm0 =	vnez.u8 v41  }
0x77: {  	v51 =	vimm.s32 $0x0;
	v34 =	vor.u32 v61, v34;
	vm0 =	vmand vm0, vm1  }
0x78: {  	vm1 =	vnez.u8 v45;
	v43 =	vsel vm0, $0x2000, v6;
	vm0 =	vnez.u8 v44  }
0x79: {  	v56 =	vimm.s32 $0x0;
	v34 =	vor.u32 v40, v34;
	vm0 =	vmand vm0, vm1  }
0x7a: {  	vm1 =	vnez.u8 v48;
	v46 =	vsel vm0, $0x4000, v6;
	vm0 =	vnez.u8 v47  }
0x7b: {  	v35 =	vor.u32 v43, v34;
	v34 =	vor.u32 s4, v30;
	vm0 =	vmand vm0, vm1  }
0x7c: {  	v52 =	vimm.s32 $0x0;
	v49 =	vsel vm0, $0x8000, v6;
	vm0 =	vge.s32 v34, v29  }
0x7d: {  	v60 =	vimm.s32 $0x0;
	v35 =	vor.u32 v46, v35;
	v37 =	vsel vm0, $0xFFFFFFFF, v37  }
0x7e: {  	s3 =	sadd.s32 $0x10, s3;
	v55 =	vimm.s32 $0x0;
	v35 =	vor.u32 v49, v35;
	vm0 =	vge.s32 v34, v28;
	[tilespmem:$0x1FF10] =	vst v37  }
0x7f: {  	v59 =	vimm.s32 $0x0;
	v36 =	vsel vm0, $0xFFFFFFFF, v50;
	vm0 =	vlt.s32 v34, v31;
	[tilespmem:s3+$0x0] =	vst v35  }
0x80: {  	v58 =	vimm.s32 $0x0;
	[tilespmem:$0x1FF20] =	vst v36;
	v36 =	vsel vm0, $0xFFFFFFFF, v51;
	vm0 =	vlt.s32 v34, v32  }
0x81: {  	v63 =	vimm.s32 $0x0;
	[tilespmem:$0x1FF30] =	vst v36;
	v36 =	vsel vm0, $0xFFFFFFFF, v52;
	vm0 =	vge.s32 v34, v25  }
0x82: {  	v62 =	vimm.s32 $0x0;
	[tilespmem:$0x1FF40] =	vst v36;
	v35 =	vsel vm0, $0xFFFFFFFF, v53;
	vm0 =	vge.s32 v34, v27  }
0x83: {  	v61 =	vimm.s32 $0x0;
	[tilespmem:$0x1FF50] =	vst v35;
	v35 =	vsel vm0, $0xFFFFFFFF, v54;
	vm0 =	vlt.s32 v34, v33  }
0x84: {  	vm15 =	vlt.s32 v34, v18;
	[tilespmem:$0x1FF60] =	vst v35;
	v35 =	vsel vm0, $0xFFFFFFFF, v55;
	vm0 =	vge.s32 v34, v23  }
0x85: {  	vm2 =	vge.s32 v34, v13;
	[tilespmem:$0x1FF70] =	vst v35;
	v35 =	vsel vm0, $0xFFFFFFFF, v56;
	vm0 =	vlt.s32 v34, v24  }
0x86: {  	vm4 =	vge.s32 v34, v11;
	[tilespmem:$0x1FF80] =	vst v35;
	v35 =	vsel vm0, $0xFFFFFFFF, v57;
	vm0 =	vlt.s32 v34, v26  }
0x87: {  	vm5 =	vlt.s32 v34, v12;
	[tilespmem:$0x1FF90] =	vst v35;
	v35 =	vsel vm0, $0xFFFFFFFF, v58;
	vm0 =	vge.s32 v34, v19  }
0x88: {  	p0 =	sne.s32 s4, $0x1F0;
	vm3 =	vlt.s32 v34, v14;
	[tilespmem:$0x1FFA0] =	vst v35;
	v35 =	vsel vm0, $0xFFFFFFFF, v59;
	vm0 =	vge.s32 v34, v21  }
.Ltmp1:
0x89: {  	vm8 =	vge.s32 v34, v7;
	[tilespmem:$0x1FFB0] =	vst v35;
	v35 =	vsel vm0, $0xFFFFFFFF, v60;
	vm0 =	vlt.s32 v34, v22;
	(pc) =	sbr.rel @p0 .LBB2_2-.Ltmp1, $4  }
0x8a: {  	vm6 =	vge.s32 v34, v9;
	[tilespmem:$0x1FFC0] =	vst v35;
	v35 =	vsel vm0, $0xFFFFFFFF, v61;
	vm0 =	vge.s32 v34, v17  }
0x8b: {  	vm7 =	vlt.s32 v34, v10;
	[tilespmem:$0x1FFD0] =	vst v35;
	v35 =	vsel vm0, $0xFFFFFFFF, v62;
	vm0 =	vlt.s32 v34, v20  }
0x8c: {  	vm11 =	vge.s32 v34, v0;
	vm10 =	vge.s32 v34, v5;
	[tilespmem:$0x1FFE0] =	vst v35;
	v35 =	vsel vm0, $0xFFFFFFFF, v63  }
0x8d: {  	s4 =	sadd.s32 $0x10, s4;
	vm9 =	vlt.s32 v34, v8;
	vm1 =	vlt.s32 v34, v16;
	vm0 =	vge.s32 v34, v15;
	[tilespmem:$0x1FFF0] =	vst v35  }
0x8e: {  	v41 =	vld [tilespmem:$0x1FFE0]  }
0x8f: {  	v43 =	vld [tilespmem:$0x1FFB0]  }
0x90: {  	v44 =	vld [tilespmem:$0x1FFF0]  }
0x91: {  	v46 =	vld [tilespmem:$0x1FFC0]  }
0x92: {  	v47 =	vld [tilespmem:$0x1FFD0]  }
0x93: {  	vm12 =	vlt.s32 v34, v1;
	vm13 =	vge.s32 v34, v2;
	vm14 =	vlt.s32 v34, v3;
	v49 =	vld [tilespmem:$0x1FF80]  }
0x94: {  	vm8 =	vmand vm8, vm9;
	vm6 =	vmand vm6, vm7;
	vm4 =	vmand vm4, vm5;
	v50 =	vld [tilespmem:$0x1FF90]  }
0x95: {  	vm2 =	vmand vm2, vm3;
	vm0 =	vmand vm0, vm1;
	v52 =	vld [tilespmem:$0x1FF50];
	vm11 =	vmand vm11, vm12  }
0x96: {  	v53 =	vld [tilespmem:$0x1FFA0];
	vm12 =	vmand vm13, vm14;
	vm13 =	vlt.s32 v34, v4;
	v36 =	vsel vm8, $0x8, v6  }
0x97: {  	v55 =	vld [tilespmem:$0x1FF60];
	v0 =	vsel vm11, $0x1, v6;
	v34 =	vsel vm12, $0x2, v6;
	vm10 =	vmand vm10, vm13  }
0x98: {  	v56 =	vld [tilespmem:$0x1FF70];
	v37 =	vsel vm6, $0x10, v6;
	v35 =	vsel vm10, $0x4, v6;
	v0 =	vor.u32 v0, v34  }
0x99: {  	v58 =	vld [tilespmem:$0x1FF20];
	v38 =	vsel vm4, $0x20, v6;
	v39 =	vsel vm2, $0x40, v6;
	v0 =	vor.u32 v35, v0  }
0x9a: {  	v59 =	vld [tilespmem:$0x1FF30];
	v40 =	vsel vm0, $0x80, v6;
	v0 =	vor.u32 v36, v0;
	vm13 =	vnez.u8 v41  }
0x9b: {  	v61 =	vld [tilespmem:$0x1FF10];
	vm14 =	vnez.u8 v43;
	vm4 =	vnez.u8 v46;
	vm5 =	vnez.u8 v47  }
0x9c: {  	v62 =	vld [tilespmem:$0x1FF40];
	vm6 =	vnez.u8 v49;
	vm7 =	vnez.u8 v50;
	vm8 =	vnez.u8 v52  }
0x9d: {  	vm9 =	vnez.u8 v53;
	vm10 =	vnez.u8 v55;
	vm11 =	vnez.u8 v56  }
0x9e: {  	vm12 =	vnez.u8 v58;
	v0 =	vor.u32 v37, v0;
	vm0 =	vmand vm13, vm15  }
0x9f: {  	vm15 =	vnez.u8 v44;
	vm13 =	vnez.u8 v59;
	v0 =	vor.u32 v38, v0  }
0xa0: {  	v42 =	vsel vm0, $0x100, v6;
	vm0 =	vmand vm14, vm15;
	v0 =	vor.u32 v39, v0  }
0xa1: {  	vm14 =	vnez.u8 v61;
	vm15 =	vnez.u8 v62;
	v0 =	vor.u32 v40, v0  }
0xa2: {  	v45 =	vsel vm0, $0x200, v6;
	vm0 =	vmand vm4, vm5;
	v0 =	vor.u32 v42, v0  }
0xa3: {  	v48 =	vsel vm0, $0x400, v6;
	vm0 =	vmand vm6, vm7;
	v0 =	vor.u32 v45, v0  }
0xa4: {  	v51 =	vsel vm0, $0x800, v6;
	vm0 =	vmand vm8, vm9;
	v0 =	vor.u32 v48, v0  }
0xa5: {  	v54 =	vsel vm0, $0x1000, v6;
	vm0 =	vmand vm10, vm11;
	v0 =	vor.u32 v51, v0  }
0xa6: {  	v57 =	vsel vm0, $0x2000, v6;
	vm0 =	vmand vm12, vm13;
	v0 =	vor.u32 v54, v0  }
0xa7: {  	v60 =	vsel vm0, $0x4000, v6;
	vm0 =	vmand vm14, vm15;
	v0 =	vor.u32 v57, v0  }
0xa8: {  	v63 =	vsel vm0, $0x8000, v6;
	v0 =	vor.u32 v60, v0  }
0xa9: {  	s3 =	sadd.s32 $0x10, s3;
	s30 =	simm.s32 $0x80;
	v0 =	vor.u32 v63, v0  }
0xaa: {  	s4 =	simm.s32 $0x400;
	s5 =	simm.s32 $0x100;
	s31 =	simm.s32 $0x1;
	[tilespmem:s3+$0x0] =	vst v0  }
0xab: {  	[hbm4b:s2+s30] =	stream.strided.scatter [tilespmem:s5], [sflag:$0x1], $0x200, s4, s30, $0x38;
	[tilespmem:$0x300] =	vst v63  }
0xac: {  	_ =	swait.ge [sflag:s31], $0x200  }
0xad: {  	[sflag:s31] =	ssyncset.done $0x0  }
0xae: {  	[sflag:s31] =	ssyncadd.s32 $0xFFFFFE00  }
.LBB2_4:
0xaf: {  	_ =	sfence.sel $0x180000  }
0xb0: {  	[bflag:$0x0] =	sbarrier.arrive $0xFFFF  }
0xb1: {  	p0 =	sne.s32 s1, $0x0;
	_ =	strace $0x90000047  }
0xb2: {  	s0 =	sadd.s32 @!p0 $0x100000, s0;
	[bflag:$0x2] =	sbarrier.arrive $0xFFFF  }
0xb3: {  	[sflag:s0] =	ssyncadd.tile.s32 @!p0 $0x1;
	_ =	shalt  }
.Lfunc_end2:
_tile_overlayer_lowered:
.L_overlay_start_2:
0xb4: {  	(tag) =	ssettag $0x2  }
0xb5: {  	s0 =	rddreg [dreg:$0x0];
	s2 =	stileid.u32  }
0xb6: {  	s1 =	rddreg [dreg:$0x1];
	p0 =	sne.s32 s2, $0x0  }
0xb7: {  	s3 =	rddreg [dreg:$0x2];
	[bflag:$0x3] =	sbarrier.arrive $0xFFFF;
	s2 =	simm.s32 @!p0 $0x1C01  }
0xb8: {  	[timem:s3], [sflag:s2] =	dma.local @!p0 [hbm:s0], s1  }
0xb9: {  	s0 =	simm.s32 @!p0 $0x1  }
0xba: {  	_ =	swait.ge @!p0 [sflag:s0], s1  }
0xbb: {  	s1 =	ssub.s32 @!p0 $0x0, s1;
	[sflag:s0] =	ssyncset.done @!p0 $0x0  }
0xbc: {  	[sflag:s0] =	ssyncadd.s32 @!p0 s1  }
0xbd: {  	[bflag:$0x3] =	sbarrier.arrive $0xFFFF  }
0xbe: {  	_ =	shalt  }

</sc_bundles>
